<compile_context>
chip_gen: v7x
topology: tpu7x:2x2x1
jax: 0.10.2.dev20260603
libtpu: 0.0.44.dev20260713+nightly
codegen_flags: <defaults>
</compile_context>

<pallas_src>
import functools

import jax
import jax.numpy as jnp
from jax import lax
from jax.experimental import pallas as pl
from jax.experimental.pallas import tpu as pltpu
from jax.experimental.pallas import tpu_sc as plsc

_NC = 2
_NS = 16
_NW = _NC * _NS
_L = 16

_BUF = 2000
_VPC = _BUF // _L


def _sc_binning(n_padded: int, n_bins: int):
    chunk = n_padded // _NW
    n_chunks = chunk // _BUF
    assert chunk % _BUF == 0 and n_padded % _NW == 0
    steps = []
    s = n_bins
    while s > 1:
        s //= 2
        steps.append(s)
    assert (1 << len(steps)) == n_bins

    mesh = plsc.VectorSubcoreMesh(core_axis_name="c", subcore_axis_name="s")

    assert n_chunks % 2 == 0
    unroll = 5
    assert _VPC % unroll == 0

    @functools.partial(
        pl.kernel,
        mesh=mesh,
        out_type=[
            jax.ShapeDtypeStruct((n_padded,), jnp.float32),
            jax.ShapeDtypeStruct((_NW, _L), jnp.float32),
        ],
        compiler_params=pltpu.CompilerParams(needs_layout_passes=False),
        scratch_types=[
            pltpu.VMEM((_BUF,), jnp.float32),
            pltpu.VMEM((_BUF,), jnp.float32),
            pltpu.VMEM((_BUF,), jnp.float32),
            pltpu.VMEM((_BUF,), jnp.float32),
            pltpu.VMEM((n_bins,), jnp.float32),
            pltpu.VMEM((n_bins,), jnp.float32),
            pltpu.VMEM((_L,), jnp.float32),
            pltpu.SemaphoreType.DMA,
            pltpu.SemaphoreType.DMA,
            pltpu.SemaphoreType.DMA,
            pltpu.SemaphoreType.DMA,
        ],
    )
    def sc_kernel(cond_hbm, edges_hbm, iw_hbm, w_out, minfail_out,
                  xbuf0, xbuf1, wbuf0, wbuf1, edges_v, v_v, min_v,
                  isem0, isem1, osem0, osem1):
        wid = lax.axis_index("c") * _NS + lax.axis_index("s")
        base = wid * chunk

        pltpu.sync_copy(edges_hbm, edges_v)
        pltpu.sync_copy(iw_hbm, v_v)
        for k in range(n_bins // _L):
            sl = pl.ds(k * _L, _L)
            v_v[sl] = jnp.maximum(v_v[sl], 0.01)

        big = jnp.full((_L,), jnp.inf, jnp.float32)
        top_idx = jnp.full((_L,), steps[0] - 1, jnp.int32)
        e_top = plsc.load_gather(edges_v, [top_idx])

        def one_vec(xb, wb, i, minacc):
            x = xb[pl.ds(i * _L, _L)]
            pos = jnp.where(e_top < x, steps[0], 0).astype(jnp.int32)
            for s in steps[1:]:
                probe = pos + (s - 1)
                e = plsc.load_gather(edges_v, [probe])
                pos = jnp.where(e < x, pos + s, pos)
            ej = plsc.load_gather(edges_v, [jnp.minimum(pos, n_bins - 1)])
            fail = (pos == 0) | (pos == n_bins) | (ej == x)
            fail = fail & (x >= 0.0)
            minacc = jnp.minimum(minacc, jnp.where(fail, x, big))
            widx = jnp.clip(pos - 1, 0, n_bins - 1)
            wb[pl.ds(i * _L, _L)] = plsc.load_gather(v_v, [widx])
            return minacc

        def start_in(k, xb, isem):
            pltpu.async_copy(cond_hbm.at[pl.ds(base + k * _BUF, _BUF)],
                             xb, isem)

        start_in(0, xbuf0, isem0)
        start_in(1, xbuf1, isem1)

        def half(kk, k, xb, wb, isem, osem, minacc):
            pltpu.make_async_copy(
                cond_hbm.at[pl.ds(base + k * _BUF, _BUF)], xb, isem).wait()

            @pl.when(kk >= 1)
            def _():
                pltpu.make_async_copy(
                    wb, w_out.at[pl.ds(base + k * _BUF, _BUF)], osem).wait()

            def blk(ii, acc):
                for u in range(unroll):
                    acc = one_vec(xb, wb, ii * unroll + u, acc)
                return acc

            minacc = lax.fori_loop(0, _VPC // unroll, blk, minacc)
            pltpu.async_copy(wb, w_out.at[pl.ds(base + k * _BUF, _BUF)], osem)

            @pl.when(kk <= n_chunks // 2 - 2)
            def _():
                start_in(k + 2, xb, isem)

            return minacc

        def pair(kk, minacc):
            minacc = half(kk, 2 * kk, xbuf0, wbuf0, isem0, osem0, minacc)
            minacc = half(kk, 2 * kk + 1, xbuf1, wbuf1, isem1, osem1, minacc)
            return minacc

        minacc = lax.fori_loop(0, n_chunks // 2, pair, big)

        k0 = n_chunks - 2
        pltpu.make_async_copy(
            wbuf0, w_out.at[pl.ds(base + k0 * _BUF, _BUF)], osem0).wait()
        pltpu.make_async_copy(
            wbuf1, w_out.at[pl.ds(base + (k0 + 1) * _BUF, _BUF)], osem1).wait()

        min_v[...] = minacc
        pltpu.sync_copy(min_v, minfail_out.at[wid])

    return sc_kernel


def _tc_loss(n_real: int, n_bins: int, rows: int, block_rows: int):
    grid = rows // block_rows
    assert rows % block_rows == 0

    def body(tmin_ref, iw_ref, w_ref, c_ref, yp_ref, yt_ref, out_ref):
        i = pl.program_id(0)
        t_cut = jnp.min(tmin_ref[...])
        w_last = jnp.maximum(iw_ref[0, n_bins - 1], 0.01)
        p = jnp.clip(yp_ref[...], 1e-7, 1.0 - 1e-7)
        yt = yt_ref[...]
        bce = -(yt * jnp.log(p) + (1.0 - yt) * jnp.log(1.0 - p))
        w = jnp.where(c_ref[...] < t_cut, w_ref[...], w_last)
        part = jnp.sum(w * bce)

        @pl.when(i == 0)
        def _init():
            out_ref[...] = jnp.zeros((1, 1), jnp.float32)

        out_ref[...] = out_ref[...] + part

        @pl.when(i == grid - 1)
        def _final():
            out_ref[...] = out_ref[...] / n_real

    return pl.pallas_call(
        body,
        grid=(grid,),
        in_specs=[
            pl.BlockSpec((_NW * _L // 128, 128), lambda i: (0, 0)),
            pl.BlockSpec((1, 128), lambda i: (0, 0)),
            pl.BlockSpec((block_rows, 128), lambda i: (i, 0)),
            pl.BlockSpec((block_rows, 128), lambda i: (i, 0)),
            pl.BlockSpec((block_rows, 128), lambda i: (i, 0)),
            pl.BlockSpec((block_rows, 128), lambda i: (i, 0)),
        ],
        out_specs=pl.BlockSpec((1, 1), lambda i: (0, 0)),
        out_shape=jax.ShapeDtypeStruct((1, 1), jnp.float32),
    )


def kernel(y_pred, y_true, interval_weights, bin_edges, conditional_info):
    n = conditional_info.shape[0]
    n_bins = bin_edges.shape[0]

    unit = _NW * _BUF
    n_padded = ((n + unit - 1) // unit) * unit
    rows = n_padded // 128
    block_rows = 1000
    while rows % block_rows:
        block_rows //= 2

    pad = n_padded - n
    cond_p = jnp.pad(conditional_info, (0, pad), constant_values=-1.0)
    yp_p = jnp.pad(y_pred.reshape(n), (0, pad))
    yt_p = jnp.pad(y_true.reshape(n), (0, pad))

    w_cand, minfail = _sc_binning(n_padded, n_bins)(
        cond_p, bin_edges, interval_weights)

    loss = _tc_loss(n, n_bins, rows, block_rows)(
        minfail.reshape(_NW * _L // 128, 128),
        interval_weights.reshape(1, n_bins),
        w_cand.reshape(rows, 128),
        cond_p.reshape(rows, 128),
        yp_p.reshape(rows, 128),
        yt_p.reshape(rows, 128),
    )
    return loss[0, 0]

# --- scband reference (transcript-rebuilt; emitter-appended) ---
"""Pipeline reference for scband-weighted-interval-cross-entropy-loss-14869176779174 (READ-ONLY COPY).

The authoritative reference and input builder live on the scoring server;
editing this copy changes nothing except your own understanding.
"""

import jax, jax.numpy as jnp
import numpy as np


def setup_inputs(seed: int = 0) -> dict:
    key = jax.random.key(seed)
    ks = jax.random.split(key, 5)
    N = 2000000
    B = 128
    y_pred = jax.random.uniform(ks[0], (N, 1), dtype=jnp.float32)
    y_true = jax.random.uniform(ks[1], (N, 1), dtype=jnp.float32)
    interval_weights = jax.random.uniform(ks[2], (B,), dtype=jnp.float32)
    bin_edges = jnp.sort(jax.random.uniform(ks[3], (B,), dtype=jnp.float32))
    conditional_info = jax.random.uniform(ks[4], (N,), dtype=jnp.float32)
    return {"y_pred": y_pred, "y_true": y_true, "interval_weights": interval_weights, "bin_edges": bin_edges, "conditional_info": conditional_info}


def _weights4batch(interval_weights, bin_edges, conditional_info):
    # Faithful vectorization of the original sequential binning loop.
    # Original: walk sorted points with a monotone bin pointer starting at 1;
    # advance while not (edges[id] < x < edges[id+1]) and id <= B-1.
    # Equivalent closed form: a sorted point x has a valid bracket id j iff
    # 1 <= j <= B-1 with edges[j-1] < x < edges[j] (0-indexed edges), where
    # j = searchsorted(edges, x, 'left'). Because both x and j are monotone
    # non-decreasing, the pointer equals j until the first point with no
    # bracket, after which the pointer saturates at B forever.
    B = bin_edges.shape[0]
    order = jnp.argsort(conditional_info)
    sorted_info = conditional_info[order]
    j = jnp.searchsorted(bin_edges, sorted_info, side='left')
    jc = jnp.clip(j, 0, B - 1)
    has_bracket = (j >= 1) & (j <= B - 1) & (sorted_info < bin_edges[jc])
    prefix_ok = jnp.cumprod(has_bracket.astype(jnp.int32)).astype(bool)
    ids = jnp.where(prefix_ok, j, B)  # 1-indexed bin id in [1, B]
    w_sorted = jnp.maximum(interval_weights[ids - 1], 0.01)
    inv = jnp.argsort(order)
    return w_sorted[inv]


def reference(y_pred, y_true, interval_weights, bin_edges, conditional_info):
    w = _weights4batch(interval_weights, bin_edges, conditional_info)
    y_pred_c = jnp.clip(y_pred, 1e-07, 1.0 - 1e-07)
    per_elem = -(y_true * jnp.log(y_pred_c) + (1.0 - y_true) * jnp.log(1.0 - y_pred_c))
    loss = jnp.mean(w[:, None] * per_elem)
    return loss

if __name__ == "__main__":
    import jax
    _d = setup_inputs()
    print(jax.jit(kernel)(*tuple(_d.values())))

</pallas_src>

<mosaic_0001>
#map = affine_map<(d0, d1) -> (0)>
#map1 = affine_map<(d0, d1) -> (0, 0)>
module attributes {stable_mosaic.version = 14 : i64} {
  func.func @sc_kernel(%arg0: i32, %arg1: i32, %arg2: memref<2048000xf32, #tpu.memory_space<hbm>>, %arg3: memref<128xf32, #tpu.memory_space<hbm>>, %arg4: memref<128xf32, #tpu.memory_space<hbm>>, %arg5: memref<2048000xf32, #tpu.memory_space<hbm>>, %arg6: memref<32x16xf32, #tpu.memory_space<hbm>>, %arg7: memref<2000xf32, #tpu.memory_space<vmem>>, %arg8: memref<2000xf32, #tpu.memory_space<vmem>>, %arg9: memref<2000xf32, #tpu.memory_space<vmem>>, %arg10: memref<2000xf32, #tpu.memory_space<vmem>>, %arg11: memref<128xf32, #tpu.memory_space<vmem>>, %arg12: memref<128xf32, #tpu.memory_space<vmem>>, %arg13: memref<16xf32, #tpu.memory_space<vmem>>, %arg14: memref<!tpu.dma_semaphore, #tpu.memory_space<semaphore_mem>>, %arg15: memref<!tpu.dma_semaphore, #tpu.memory_space<semaphore_mem>>, %arg16: memref<!tpu.dma_semaphore, #tpu.memory_space<semaphore_mem>>, %arg17: memref<!tpu.dma_semaphore, #tpu.memory_space<semaphore_mem>>) attributes {dimension_semantics = [#tpu.dimension_semantics<core_parallel>, #tpu.dimension_semantics<subcore_parallel>], iteration_bounds = array<i64: 2, 16>, scalar_prefetch = 0 : i64, scratch_operands = 11 : i64, tpu.core_type = #tpu.core_type<sc_vector_subcore>, window_params = [{transform_indices = #map}, {transform_indices = #map}, {transform_indices = #map}, {transform_indices = #map}, {transform_indices = #map1}]} {
    %mul3A = arith.constant 16 : i32
    %mul3A_0 = arith.muli %arg0, %mul3A : i32
    %add3A = arith.addi %mul3A_0, %arg1 : i32
    %mul3A_1 = arith.constant 64000 : i32
    %mul3A_2 = arith.muli %add3A, %mul3A_1 : i32
    "tpu.region"() ({
      %run_scoped3A = tpu.sem_alloc : memref<!tpu.dma_semaphore, #tpu.memory_space<semaphore_mem>>
      tpu.enqueue_dma source(%arg3 : memref<128xf32, #tpu.memory_space<hbm>>) target(%arg11 : memref<128xf32, #tpu.memory_space<vmem>>) target_semaphore(%run_scoped3A : memref<!tpu.dma_semaphore, #tpu.memory_space<semaphore_mem>>)
      tpu.wait_dma2 semaphore(%run_scoped3A : memref<!tpu.dma_semaphore, #tpu.memory_space<semaphore_mem>>) src(%arg3 : memref<128xf32, #tpu.memory_space<hbm>>) dst(%arg11 : memref<128xf32, #tpu.memory_space<vmem>>)
      tpu.yield
    }) : () -> ()
    "tpu.region"() ({
      %run_scoped3A = tpu.sem_alloc : memref<!tpu.dma_semaphore, #tpu.memory_space<semaphore_mem>>
      tpu.enqueue_dma source(%arg4 : memref<128xf32, #tpu.memory_space<hbm>>) target(%arg12 : memref<128xf32, #tpu.memory_space<vmem>>) target_semaphore(%run_scoped3A : memref<!tpu.dma_semaphore, #tpu.memory_space<semaphore_mem>>)
      tpu.wait_dma2 semaphore(%run_scoped3A : memref<!tpu.dma_semaphore, #tpu.memory_space<semaphore_mem>>) src(%arg4 : memref<128xf32, #tpu.memory_space<hbm>>) dst(%arg12 : memref<128xf32, #tpu.memory_space<vmem>>)
      tpu.yield
    }) : () -> ()
    %get3A = arith.constant 0 : index
    %get3A_3 = tpu.vector_load %arg12[%get3A] {strides = array<i32>} : memref<128xf32, #tpu.memory_space<vmem>>, vector<16xf32>,
    %max3A = arith.constant 0.00999999977 : f32
    %max3A_4 = vector.broadcast %max3A : f32 to vector<16xf32>
    %max3A_5 = arith.maximumf %get3A_3, %max3A_4 : vector<16xf32>
    %swap3A = arith.constant 0 : index
    %swap3A_6 = tpu.vector_load %arg12[%swap3A] {strides = array<i32>} : memref<128xf32, #tpu.memory_space<vmem>>, vector<16xf32>,
    tpu.vector_store %arg12[%swap3A], %max3A_5 {strides = array<i32>} : memref<128xf32, #tpu.memory_space<vmem>>, vector<16xf32>,
    %get3A_7 = arith.constant 16 : index
    %get3A_8 = tpu.vector_load %arg12[%get3A_7] {strides = array<i32>} : memref<128xf32, #tpu.memory_space<vmem>>, vector<16xf32>,
    %max3A_9 = arith.constant 0.00999999977 : f32
    %max3A_10 = vector.broadcast %max3A_9 : f32 to vector<16xf32>
    %max3A_11 = arith.maximumf %get3A_8, %max3A_10 : vector<16xf32>
    %swap3A_12 = arith.constant 16 : index
    %swap3A_13 = tpu.vector_load %arg12[%swap3A_12] {strides = array<i32>} : memref<128xf32, #tpu.memory_space<vmem>>, vector<16xf32>,
    tpu.vector_store %arg12[%swap3A_12], %max3A_11 {strides = array<i32>} : memref<128xf32, #tpu.memory_space<vmem>>, vector<16xf32>,
    %get3A_14 = arith.constant 32 : index
    %get3A_15 = tpu.vector_load %arg12[%get3A_14] {strides = array<i32>} : memref<128xf32, #tpu.memory_space<vmem>>, vector<16xf32>,
    %max3A_16 = arith.constant 0.00999999977 : f32
    %max3A_17 = vector.broadcast %max3A_16 : f32 to vector<16xf32>
    %max3A_18 = arith.maximumf %get3A_15, %max3A_17 : vector<16xf32>
    %swap3A_19 = arith.constant 32 : index
    %swap3A_20 = tpu.vector_load %arg12[%swap3A_19] {strides = array<i32>} : memref<128xf32, #tpu.memory_space<vmem>>, vector<16xf32>,
    tpu.vector_store %arg12[%swap3A_19], %max3A_18 {strides = array<i32>} : memref<128xf32, #tpu.memory_space<vmem>>, vector<16xf32>,
    %get3A_21 = arith.constant 48 : index
    %get3A_22 = tpu.vector_load %arg12[%get3A_21] {strides = array<i32>} : memref<128xf32, #tpu.memory_space<vmem>>, vector<16xf32>,
    %max3A_23 = arith.constant 0.00999999977 : f32
    %max3A_24 = vector.broadcast %max3A_23 : f32 to vector<16xf32>
    %max3A_25 = arith.maximumf %get3A_22, %max3A_24 : vector<16xf32>
    %swap3A_26 = arith.constant 48 : index
    %swap3A_27 = tpu.vector_load %arg12[%swap3A_26] {strides = array<i32>} : memref<128xf32, #tpu.memory_space<vmem>>, vector<16xf32>,
    tpu.vector_store %arg12[%swap3A_26], %max3A_25 {strides = array<i32>} : memref<128xf32, #tpu.memory_space<vmem>>, vector<16xf32>,
    %get3A_28 = arith.constant 64 : index
    %get3A_29 = tpu.vector_load %arg12[%get3A_28] {strides = array<i32>} : memref<128xf32, #tpu.memory_space<vmem>>, vector<16xf32>,
    %max3A_30 = arith.constant 0.00999999977 : f32
    %max3A_31 = vector.broadcast %max3A_30 : f32 to vector<16xf32>
    %max3A_32 = arith.maximumf %get3A_29, %max3A_31 : vector<16xf32>
    %swap3A_33 = arith.constant 64 : index
    %swap3A_34 = tpu.vector_load %arg12[%swap3A_33] {strides = array<i32>} : memref<128xf32, #tpu.memory_space<vmem>>, vector<16xf32>,
    tpu.vector_store %arg12[%swap3A_33], %max3A_32 {strides = array<i32>} : memref<128xf32, #tpu.memory_space<vmem>>, vector<16xf32>,
    %get3A_35 = arith.constant 80 : index
    %get3A_36 = tpu.vector_load %arg12[%get3A_35] {strides = array<i32>} : memref<128xf32, #tpu.memory_space<vmem>>, vector<16xf32>,
    %max3A_37 = arith.constant 0.00999999977 : f32
    %max3A_38 = vector.broadcast %max3A_37 : f32 to vector<16xf32>
    %max3A_39 = arith.maximumf %get3A_36, %max3A_38 : vector<16xf32>
    %swap3A_40 = arith.constant 80 : index
    %swap3A_41 = tpu.vector_load %arg12[%swap3A_40] {strides = array<i32>} : memref<128xf32, #tpu.memory_space<vmem>>, vector<16xf32>,
    tpu.vector_store %arg12[%swap3A_40], %max3A_39 {strides = array<i32>} : memref<128xf32, #tpu.memory_space<vmem>>, vector<16xf32>,
    %get3A_42 = arith.constant 96 : index
    %get3A_43 = tpu.vector_load %arg12[%get3A_42] {strides = array<i32>} : memref<128xf32, #tpu.memory_space<vmem>>, vector<16xf32>,
    %max3A_44 = arith.constant 0.00999999977 : f32
    %max3A_45 = vector.broadcast %max3A_44 : f32 to vector<16xf32>
    %max3A_46 = arith.maximumf %get3A_43, %max3A_45 : vector<16xf32>
    %swap3A_47 = arith.constant 96 : index
    %swap3A_48 = tpu.vector_load %arg12[%swap3A_47] {strides = array<i32>} : memref<128xf32, #tpu.memory_space<vmem>>, vector<16xf32>,
    tpu.vector_store %arg12[%swap3A_47], %max3A_46 {strides = array<i32>} : memref<128xf32, #tpu.memory_space<vmem>>, vector<16xf32>,
    %get3A_49 = arith.constant 112 : index
    %get3A_50 = tpu.vector_load %arg12[%get3A_49] {strides = array<i32>} : memref<128xf32, #tpu.memory_space<vmem>>, vector<16xf32>,
    %max3A_51 = arith.constant 0.00999999977 : f32
    %max3A_52 = vector.broadcast %max3A_51 : f32 to vector<16xf32>
    %max3A_53 = arith.maximumf %get3A_50, %max3A_52 : vector<16xf32>
    %swap3A_54 = arith.constant 112 : index
    %swap3A_55 = tpu.vector_load %arg12[%swap3A_54] {strides = array<i32>} : memref<128xf32, #tpu.memory_space<vmem>>, vector<16xf32>,
    tpu.vector_store %arg12[%swap3A_54], %max3A_53 {strides = array<i32>} : memref<128xf32, #tpu.memory_space<vmem>>, vector<16xf32>,
    %broadcast_in_dim3A = arith.constant 0x7F800000 : f32
    %broadcast_in_dim3A_56 = vector.broadcast %broadcast_in_dim3A : f32 to vector<16xf32>
    %broadcast_in_dim3A_57 = arith.constant 63 : i32
    %broadcast_in_dim3A_58 = vector.broadcast %broadcast_in_dim3A_57 : i32 to vector<16xi32>
    %gather3A = tpu.vector_load_idx %arg11[%broadcast_in_dim3A_58] : memref<128xf32, #tpu.memory_space<vmem>>[vector<16xi32>], vector<16xf32>,
    %add3A_59 = arith.constant 0 : i32
    %add3A_60 = arith.addi %mul3A_2, %add3A_59 : i32
    %dma_start3A = tpu.memref_slice %arg2[%add3A_60] : memref<2048000xf32, #tpu.memory_space<hbm>> -> memref<2000xf32, #tpu.memory_space<hbm>>
    %dma_start3A_61 = tpu.memref_slice %arg2[%add3A_60] : memref<2048000xf32, #tpu.memory_space<hbm>> -> memref<2000xf32, #tpu.memory_space<hbm>>
    tpu.enqueue_dma source(%dma_start3A_61 : memref<2000xf32, #tpu.memory_space<hbm>>) target(%arg7 : memref<2000xf32, #tpu.memory_space<vmem>>) target_semaphore(%arg14 : memref<!tpu.dma_semaphore, #tpu.memory_space<semaphore_mem>>)
    %add3A_62 = arith.constant 2000 : i32
    %add3A_63 = arith.addi %mul3A_2, %add3A_62 : i32
    %dma_start3A_64 = tpu.memref_slice %arg2[%add3A_63] : memref<2048000xf32, #tpu.memory_space<hbm>> -> memref<2000xf32, #tpu.memory_space<hbm>>
    %dma_start3A_65 = tpu.memref_slice %arg2[%add3A_63] : memref<2048000xf32, #tpu.memory_space<hbm>> -> memref<2000xf32, #tpu.memory_space<hbm>>
    tpu.enqueue_dma source(%dma_start3A_65 : memref<2000xf32, #tpu.memory_space<hbm>>) target(%arg8 : memref<2000xf32, #tpu.memory_space<vmem>>) target_semaphore(%arg15 : memref<!tpu.dma_semaphore, #tpu.memory_space<semaphore_mem>>)
    %scan3A = arith.constant 0 : i32
    %scan3A_66 = arith.constant 16 : i32
    %scan3A_67 = arith.addi %scan3A, %scan3A_66 : i32
    %scan3A_68 = arith.constant 1 : i32
    %scan3A_69 = scf.for %scan3A_80 = %scan3A to %scan3A_67 step %scan3A_68 iter_args(%scan3A_81 = %broadcast_in_dim3A_56) -> (vector<16xf32>)  : i32 {
      %mul3A_82 = arith.constant 2 : i32
      %mul3A_83 = arith.muli %mul3A_82, %scan3A_80 : i32
      %mul3A_84 = arith.constant 2000 : i32
      %mul3A_85 = arith.muli %mul3A_83, %mul3A_84 : i32
      %add3A_86 = arith.addi %mul3A_2, %mul3A_85 : i32
      %dma_wait3A_87 = tpu.memref_slice %arg2[%add3A_86] : memref<2048000xf32, #tpu.memory_space<hbm>> -> memref<2000xf32, #tpu.memory_space<hbm>>
      %dma_wait3A_88 = tpu.memref_slice %arg2[%add3A_86] : memref<2048000xf32, #tpu.memory_space<hbm>> -> memref<2000xf32, #tpu.memory_space<hbm>>
      tpu.wait_dma2 semaphore(%arg14 : memref<!tpu.dma_semaphore, #tpu.memory_space<semaphore_mem>>) src(%dma_wait3A_88 : memref<2000xf32, #tpu.memory_space<hbm>>) dst(%arg7 : memref<2000xf32, #tpu.memory_space<vmem>>)
      %ge3A = arith.constant 1 : i32
      %ge3A_89 = arith.cmpi sge, %scan3A_80, %ge3A : i32
      %convert_element_type3A = arith.extui %ge3A_89 : i1 to i32
      %cond3A = arith.constant 0 : i32
      %cond3A_90 = arith.cmpi ne, %convert_element_type3A, %cond3A : i32
      scf.if %cond3A_90 {
        %mul3A_136 = arith.constant 2000 : i32
        %mul3A_137 = arith.muli %mul3A_83, %mul3A_136 : i32
        %add3A_138 = arith.addi %mul3A_2, %mul3A_137 : i32
        %dma_wait3A_139 = tpu.memref_slice %arg5[%add3A_138] : memref<2048000xf32, #tpu.memory_space<hbm>> -> memref<2000xf32, #tpu.memory_space<hbm>>
        %dma_wait3A_140 = tpu.memref_slice %arg5[%add3A_138] : memref<2048000xf32, #tpu.memory_space<hbm>> -> memref<2000xf32, #tpu.memory_space<hbm>>
        tpu.wait_dma2 semaphore(%arg16 : memref<!tpu.dma_semaphore, #tpu.memory_space<semaphore_mem>>) src(%arg9 : memref<2000xf32, #tpu.memory_space<vmem>>) dst(%dma_wait3A_140 : memref<2000xf32, #tpu.memory_space<hbm>>)
      } else {
      }
      %scan3A_91 = arith.constant 0 : i32
      %scan3A_92 = arith.constant 25 : i32
      %scan3A_93 = arith.addi %scan3A_91, %scan3A_92 : i32
      %scan3A_94 = arith.constant 1 : i32
      %scan3A_95 = scf.for %scan3A_136 = %scan3A_91 to %scan3A_93 step %scan3A_94 iter_args(%scan3A_137 = %scan3A_81) -> (vector<16xf32>)  : i32 {
        %mul3A_138 = arith.constant 5 : i32
        %mul3A_139 = arith.muli %scan3A_136, %mul3A_138 : i32
        %add3A_140 = arith.constant 0 : i32
        %add3A_141 = arith.addi %mul3A_139, %add3A_140 : i32
        %mul3A_142 = arith.constant 16 : i32
        %mul3A_143 = arith.muli %add3A_141, %mul3A_142 : i32
        %get3A_144 = arith.index_cast %mul3A_143 : i32 to index
        %get3A_145 = tpu.vector_load %arg7[%get3A_144] {strides = array<i32>} : memref<2000xf32, #tpu.memory_space<vmem>>, vector<16xf32>,
        %lt3A = arith.cmpf olt, %gather3A, %get3A_145 : vector<16xf32>
        %jit3A = arith.constant 64 : i32
        %jit3A_146 = arith.constant 0 : i32
        %broadcast_in_dim3A_147 = vector.broadcast %jit3A : i32 to vector<16xi32>
        %broadcast_in_dim3A_148 = vector.broadcast %jit3A_146 : i32 to vector<16xi32>
        %select_n3A = arith.select %lt3A, %broadcast_in_dim3A_147, %broadcast_in_dim3A_148 : vector<16xi1>, vector<16xi32>
        %add3A_149 = arith.constant 31 : i32
        %add3A_150 = vector.broadcast %add3A_149 : i32 to vector<16xi32>
        %add3A_151 = arith.addi %select_n3A, %add3A_150 : vector<16xi32>
        %gather3A_152 = tpu.vector_load_idx %arg11[%add3A_151] : memref<128xf32, #tpu.memory_space<vmem>>[vector<16xi32>], vector<16xf32>,
        %lt3A_153 = arith.cmpf olt, %gather3A_152, %get3A_145 : vector<16xf32>
        %add3A_154 = arith.constant 32 : i32
        %add3A_155 = vector.broadcast %add3A_154 : i32 to vector<16xi32>
        %add3A_156 = arith.addi %select_n3A, %add3A_155 : vector<16xi32>
        %select_n3A_157 = arith.select %lt3A_153, %add3A_156, %select_n3A : vector<16xi1>, vector<16xi32>
        %add3A_158 = arith.constant 15 : i32
        %add3A_159 = vector.broadcast %add3A_158 : i32 to vector<16xi32>
        %add3A_160 = arith.addi %select_n3A_157, %add3A_159 : vector<16xi32>
        %gather3A_161 = tpu.vector_load_idx %arg11[%add3A_160] : memref<128xf32, #tpu.memory_space<vmem>>[vector<16xi32>], vector<16xf32>,
        %lt3A_162 = arith.cmpf olt, %gather3A_161, %get3A_145 : vector<16xf32>
        %add3A_163 = arith.constant 16 : i32
        %add3A_164 = vector.broadcast %add3A_163 : i32 to vector<16xi32>
        %add3A_165 = arith.addi %select_n3A_157, %add3A_164 : vector<16xi32>
        %select_n3A_166 = arith.select %lt3A_162, %add3A_165, %select_n3A_157 : vector<16xi1>, vector<16xi32>
        %add3A_167 = arith.constant 7 : i32
        %add3A_168 = vector.broadcast %add3A_167 : i32 to vector<16xi32>
        %add3A_169 = arith.addi %select_n3A_166, %add3A_168 : vector<16xi32>
        %gather3A_170 = tpu.vector_load_idx %arg11[%add3A_169] : memref<128xf32, #tpu.memory_space<vmem>>[vector<16xi32>], vector<16xf32>,
        %lt3A_171 = arith.cmpf olt, %gather3A_170, %get3A_145 : vector<16xf32>
        %add3A_172 = arith.constant 8 : i32
        %add3A_173 = vector.broadcast %add3A_172 : i32 to vector<16xi32>
        %add3A_174 = arith.addi %select_n3A_166, %add3A_173 : vector<16xi32>
        %select_n3A_175 = arith.select %lt3A_171, %add3A_174, %select_n3A_166 : vector<16xi1>, vector<16xi32>
        %add3A_176 = arith.constant 3 : i32
        %add3A_177 = vector.broadcast %add3A_176 : i32 to vector<16xi32>
        %add3A_178 = arith.addi %select_n3A_175, %add3A_177 : vector<16xi32>
        %gather3A_179 = tpu.vector_load_idx %arg11[%add3A_178] : memref<128xf32, #tpu.memory_space<vmem>>[vector<16xi32>], vector<16xf32>,
        %lt3A_180 = arith.cmpf olt, %gather3A_179, %get3A_145 : vector<16xf32>
        %add3A_181 = arith.constant 4 : i32
        %add3A_182 = vector.broadcast %add3A_181 : i32 to vector<16xi32>
        %add3A_183 = arith.addi %select_n3A_175, %add3A_182 : vector<16xi32>
        %select_n3A_184 = arith.select %lt3A_180, %add3A_183, %select_n3A_175 : vector<16xi1>, vector<16xi32>
        %add3A_185 = arith.constant 1 : i32
        %add3A_186 = vector.broadcast %add3A_185 : i32 to vector<16xi32>
        %add3A_187 = arith.addi %select_n3A_184, %add3A_186 : vector<16xi32>
        %gather3A_188 = tpu.vector_load_idx %arg11[%add3A_187] : memref<128xf32, #tpu.memory_space<vmem>>[vector<16xi32>], vector<16xf32>,
        %lt3A_189 = arith.cmpf olt, %gather3A_188, %get3A_145 : vector<16xf32>
        %add3A_190 = arith.constant 2 : i32
        %add3A_191 = vector.broadcast %add3A_190 : i32 to vector<16xi32>
        %add3A_192 = arith.addi %select_n3A_184, %add3A_191 : vector<16xi32>
        %select_n3A_193 = arith.select %lt3A_189, %add3A_192, %select_n3A_184 : vector<16xi1>, vector<16xi32>
        %add3A_194 = arith.constant 0 : i32
        %add3A_195 = vector.broadcast %add3A_194 : i32 to vector<16xi32>
        %add3A_196 = arith.addi %select_n3A_193, %add3A_195 : vector<16xi32>
        %gather3A_197 = tpu.vector_load_idx %arg11[%add3A_196] : memref<128xf32, #tpu.memory_space<vmem>>[vector<16xi32>], vector<16xf32>,
        %lt3A_198 = arith.cmpf olt, %gather3A_197, %get3A_145 : vector<16xf32>
        %add3A_199 = arith.constant 1 : i32
        %add3A_200 = vector.broadcast %add3A_199 : i32 to vector<16xi32>
        %add3A_201 = arith.addi %select_n3A_193, %add3A_200 : vector<16xi32>
        %select_n3A_202 = arith.select %lt3A_198, %add3A_201, %select_n3A_193 : vector<16xi1>, vector<16xi32>
        %min3A = arith.constant 127 : i32
        %min3A_203 = vector.broadcast %min3A : i32 to vector<16xi32>
        %min3A_204 = arith.minsi %select_n3A_202, %min3A_203 : vector<16xi32>
        %gather3A_205 = tpu.vector_load_idx %arg11[%min3A_204] : memref<128xf32, #tpu.memory_space<vmem>>[vector<16xi32>], vector<16xf32>,
        %eq3A = arith.constant 0 : i32
        %eq3A_206 = vector.broadcast %eq3A : i32 to vector<16xi32>
        %eq3A_207 = arith.cmpi eq, %select_n3A_202, %eq3A_206 : vector<16xi32>
        %eq3A_208 = arith.constant 128 : i32
        %eq3A_209 = vector.broadcast %eq3A_208 : i32 to vector<16xi32>
        %eq3A_210 = arith.cmpi eq, %select_n3A_202, %eq3A_209 : vector<16xi32>
        %or3A = arith.ori %eq3A_207, %eq3A_210 : vector<16xi1>
        %eq3A_211 = arith.cmpf oeq, %gather3A_205, %get3A_145 : vector<16xf32>
        %or3A_212 = arith.ori %or3A, %eq3A_211 : vector<16xi1>
        %ge3A_213 = arith.constant 0.000000e+00 : f32
        %ge3A_214 = vector.broadcast %ge3A_213 : f32 to vector<16xf32>
        %ge3A_215 = arith.cmpf oge, %get3A_145, %ge3A_214 : vector<16xf32>
        %and3A = arith.andi %or3A_212, %ge3A_215 : vector<16xi1>
        %select_n3A_216 = arith.select %and3A, %get3A_145, %broadcast_in_dim3A_56 : vector<16xi1>, vector<16xf32>
        %min3A_217 = arith.minimumf %scan3A_137, %select_n3A_216 : vector<16xf32>
        %sub3A = arith.constant 1 : i32
        %sub3A_218 = vector.broadcast %sub3A : i32 to vector<16xi32>
        %sub3A_219 = arith.subi %select_n3A_202, %sub3A_218 : vector<16xi32>
        %jit3A_220 = arith.constant 0 : i32
        %jit3A_221 = arith.constant 127 : i32
        %max3A_222 = vector.broadcast %jit3A_220 : i32 to vector<16xi32>
        %max3A_223 = arith.maxsi %max3A_222, %sub3A_219 : vector<16xi32>
        %min3A_224 = vector.broadcast %jit3A_221 : i32 to vector<16xi32>
        %min3A_225 = arith.minsi %min3A_224, %max3A_223 : vector<16xi32>
        %gather3A_226 = tpu.vector_load_idx %arg12[%min3A_225] : memref<128xf32, #tpu.memory_space<vmem>>[vector<16xi32>], vector<16xf32>,
        %mul3A_227 = arith.constant 16 : i32
        %mul3A_228 = arith.muli %add3A_141, %mul3A_227 : i32
        %swap3A_229 = arith.index_cast %mul3A_228 : i32 to index
        %swap3A_230 = tpu.vector_load %arg9[%swap3A_229] {strides = array<i32>} : memref<2000xf32, #tpu.memory_space<vmem>>, vector<16xf32>,
        tpu.vector_store %arg9[%swap3A_229], %gather3A_226 {strides = array<i32>} : memref<2000xf32, #tpu.memory_space<vmem>>, vector<16xf32>,
        %mul3A_231 = arith.constant 5 : i32
        %mul3A_232 = arith.muli %scan3A_136, %mul3A_231 : i32
        %add3A_233 = arith.constant 1 : i32
        %add3A_234 = arith.addi %mul3A_232, %add3A_233 : i32
        %mul3A_235 = arith.constant 16 : i32
        %mul3A_236 = arith.muli %add3A_234, %mul3A_235 : i32
        %get3A_237 = arith.index_cast %mul3A_236 : i32 to index
        %get3A_238 = tpu.vector_load %arg7[%get3A_237] {strides = array<i32>} : memref<2000xf32, #tpu.memory_space<vmem>>, vector<16xf32>,
        %lt3A_239 = arith.cmpf olt, %gather3A, %get3A_238 : vector<16xf32>
        %jit3A_240 = arith.constant 64 : i32
        %jit3A_241 = arith.constant 0 : i32
        %broadcast_in_dim3A_242 = vector.broadcast %jit3A_240 : i32 to vector<16xi32>
        %broadcast_in_dim3A_243 = vector.broadcast %jit3A_241 : i32 to vector<16xi32>
        %select_n3A_244 = arith.select %lt3A_239, %broadcast_in_dim3A_242, %broadcast_in_dim3A_243 : vector<16xi1>, vector<16xi32>
        %add3A_245 = arith.constant 31 : i32
        %add3A_246 = vector.broadcast %add3A_245 : i32 to vector<16xi32>
        %add3A_247 = arith.addi %select_n3A_244, %add3A_246 : vector<16xi32>
        %gather3A_248 = tpu.vector_load_idx %arg11[%add3A_247] : memref<128xf32, #tpu.memory_space<vmem>>[vector<16xi32>], vector<16xf32>,
        %lt3A_249 = arith.cmpf olt, %gather3A_248, %get3A_238 : vector<16xf32>
        %add3A_250 = arith.constant 32 : i32
        %add3A_251 = vector.broadcast %add3A_250 : i32 to vector<16xi32>
        %add3A_252 = arith.addi %select_n3A_244, %add3A_251 : vector<16xi32>
        %select_n3A_253 = arith.select %lt3A_249, %add3A_252, %select_n3A_244 : vector<16xi1>, vector<16xi32>
        %add3A_254 = arith.constant 15 : i32
        %add3A_255 = vector.broadcast %add3A_254 : i32 to vector<16xi32>
        %add3A_256 = arith.addi %select_n3A_253, %add3A_255 : vector<16xi32>
        %gather3A_257 = tpu.vector_load_idx %arg11[%add3A_256] : memref<128xf32, #tpu.memory_space<vmem>>[vector<16xi32>], vector<16xf32>,
        %lt3A_258 = arith.cmpf olt, %gather3A_257, %get3A_238 : vector<16xf32>
        %add3A_259 = arith.constant 16 : i32
        %add3A_260 = vector.broadcast %add3A_259 : i32 to vector<16xi32>
        %add3A_261 = arith.addi %select_n3A_253, %add3A_260 : vector<16xi32>
        %select_n3A_262 = arith.select %lt3A_258, %add3A_261, %select_n3A_253 : vector<16xi1>, vector<16xi32>
        %add3A_263 = arith.constant 7 : i32
        %add3A_264 = vector.broadcast %add3A_263 : i32 to vector<16xi32>
        %add3A_265 = arith.addi %select_n3A_262, %add3A_264 : vector<16xi32>
        %gather3A_266 = tpu.vector_load_idx %arg11[%add3A_265] : memref<128xf32, #tpu.memory_space<vmem>>[vector<16xi32>], vector<16xf32>,
        %lt3A_267 = arith.cmpf olt, %gather3A_266, %get3A_238 : vector<16xf32>
        %add3A_268 = arith.constant 8 : i32
        %add3A_269 = vector.broadcast %add3A_268 : i32 to vector<16xi32>
        %add3A_270 = arith.addi %select_n3A_262, %add3A_269 : vector<16xi32>
        %select_n3A_271 = arith.select %lt3A_267, %add3A_270, %select_n3A_262 : vector<16xi1>, vector<16xi32>
        %add3A_272 = arith.constant 3 : i32
        %add3A_273 = vector.broadcast %add3A_272 : i32 to vector<16xi32>
        %add3A_274 = arith.addi %select_n3A_271, %add3A_273 : vector<16xi32>
        %gather3A_275 = tpu.vector_load_idx %arg11[%add3A_274] : memref<128xf32, #tpu.memory_space<vmem>>[vector<16xi32>], vector<16xf32>,
        %lt3A_276 = arith.cmpf olt, %gather3A_275, %get3A_238 : vector<16xf32>
        %add3A_277 = arith.constant 4 : i32
        %add3A_278 = vector.broadcast %add3A_277 : i32 to vector<16xi32>
        %add3A_279 = arith.addi %select_n3A_271, %add3A_278 : vector<16xi32>
        %select_n3A_280 = arith.select %lt3A_276, %add3A_279, %select_n3A_271 : vector<16xi1>, vector<16xi32>
        %add3A_281 = arith.constant 1 : i32
        %add3A_282 = vector.broadcast %add3A_281 : i32 to vector<16xi32>
        %add3A_283 = arith.addi %select_n3A_280, %add3A_282 : vector<16xi32>
        %gather3A_284 = tpu.vector_load_idx %arg11[%add3A_283] : memref<128xf32, #tpu.memory_space<vmem>>[vector<16xi32>], vector<16xf32>,
        %lt3A_285 = arith.cmpf olt, %gather3A_284, %get3A_238 : vector<16xf32>
        %add3A_286 = arith.constant 2 : i32
        %add3A_287 = vector.broadcast %add3A_286 : i32 to vector<16xi32>
        %add3A_288 = arith.addi %select_n3A_280, %add3A_287 : vector<16xi32>
        %select_n3A_289 = arith.select %lt3A_285, %add3A_288, %select_n3A_280 : vector<16xi1>, vector<16xi32>
        %add3A_290 = arith.constant 0 : i32
        %add3A_291 = vector.broadcast %add3A_290 : i32 to vector<16xi32>
        %add3A_292 = arith.addi %select_n3A_289, %add3A_291 : vector<16xi32>
        %gather3A_293 = tpu.vector_load_idx %arg11[%add3A_292] : memref<128xf32, #tpu.memory_space<vmem>>[vector<16xi32>], vector<16xf32>,
        %lt3A_294 = arith.cmpf olt, %gather3A_293, %get3A_238 : vector<16xf32>
        %add3A_295 = arith.constant 1 : i32
        %add3A_296 = vector.broadcast %add3A_295 : i32 to vector<16xi32>
        %add3A_297 = arith.addi %select_n3A_289, %add3A_296 : vector<16xi32>
        %select_n3A_298 = arith.select %lt3A_294, %add3A_297, %select_n3A_289 : vector<16xi1>, vector<16xi32>
        %min3A_299 = arith.constant 127 : i32
        %min3A_300 = vector.broadcast %min3A_299 : i32 to vector<16xi32>
        %min3A_301 = arith.minsi %select_n3A_298, %min3A_300 : vector<16xi32>
        %gather3A_302 = tpu.vector_load_idx %arg11[%min3A_301] : memref<128xf32, #tpu.memory_space<vmem>>[vector<16xi32>], vector<16xf32>,
        %eq3A_303 = arith.constant 0 : i32
        %eq3A_304 = vector.broadcast %eq3A_303 : i32 to vector<16xi32>
        %eq3A_305 = arith.cmpi eq, %select_n3A_298, %eq3A_304 : vector<16xi32>
        %eq3A_306 = arith.constant 128 : i32
        %eq3A_307 = vector.broadcast %eq3A_306 : i32 to vector<16xi32>
        %eq3A_308 = arith.cmpi eq, %select_n3A_298, %eq3A_307 : vector<16xi32>
        %or3A_309 = arith.ori %eq3A_305, %eq3A_308 : vector<16xi1>
        %eq3A_310 = arith.cmpf oeq, %gather3A_302, %get3A_238 : vector<16xf32>
        %or3A_311 = arith.ori %or3A_309, %eq3A_310 : vector<16xi1>
        %ge3A_312 = arith.constant 0.000000e+00 : f32
        %ge3A_313 = vector.broadcast %ge3A_312 : f32 to vector<16xf32>
        %ge3A_314 = arith.cmpf oge, %get3A_238, %ge3A_313 : vector<16xf32>
        %and3A_315 = arith.andi %or3A_311, %ge3A_314 : vector<16xi1>
        %select_n3A_316 = arith.select %and3A_315, %get3A_238, %broadcast_in_dim3A_56 : vector<16xi1>, vector<16xf32>
        %min3A_317 = arith.minimumf %min3A_217, %select_n3A_316 : vector<16xf32>
        %sub3A_318 = arith.constant 1 : i32
        %sub3A_319 = vector.broadcast %sub3A_318 : i32 to vector<16xi32>
        %sub3A_320 = arith.subi %select_n3A_298, %sub3A_319 : vector<16xi32>
        %jit3A_321 = arith.constant 0 : i32
        %jit3A_322 = arith.constant 127 : i32
        %max3A_323 = vector.broadcast %jit3A_321 : i32 to vector<16xi32>
        %max3A_324 = arith.maxsi %max3A_323, %sub3A_320 : vector<16xi32>
        %min3A_325 = vector.broadcast %jit3A_322 : i32 to vector<16xi32>
        %min3A_326 = arith.minsi %min3A_325, %max3A_324 : vector<16xi32>
        %gather3A_327 = tpu.vector_load_idx %arg12[%min3A_326] : memref<128xf32, #tpu.memory_space<vmem>>[vector<16xi32>], vector<16xf32>,
        %mul3A_328 = arith.constant 16 : i32
        %mul3A_329 = arith.muli %add3A_234, %mul3A_328 : i32
        %swap3A_330 = arith.index_cast %mul3A_329 : i32 to index
        %swap3A_331 = tpu.vector_load %arg9[%swap3A_330] {strides = array<i32>} : memref<2000xf32, #tpu.memory_space<vmem>>, vector<16xf32>,
        tpu.vector_store %arg9[%swap3A_330], %gather3A_327 {strides = array<i32>} : memref<2000xf32, #tpu.memory_space<vmem>>, vector<16xf32>,
        %mul3A_332 = arith.constant 5 : i32
        %mul3A_333 = arith.muli %scan3A_136, %mul3A_332 : i32
        %add3A_334 = arith.constant 2 : i32
        %add3A_335 = arith.addi %mul3A_333, %add3A_334 : i32
        %mul3A_336 = arith.constant 16 : i32
        %mul3A_337 = arith.muli %add3A_335, %mul3A_336 : i32
        %get3A_338 = arith.index_cast %mul3A_337 : i32 to index
        %get3A_339 = tpu.vector_load %arg7[%get3A_338] {strides = array<i32>} : memref<2000xf32, #tpu.memory_space<vmem>>, vector<16xf32>,
        %lt3A_340 = arith.cmpf olt, %gather3A, %get3A_339 : vector<16xf32>
        %jit3A_341 = arith.constant 64 : i32
        %jit3A_342 = arith.constant 0 : i32
        %broadcast_in_dim3A_343 = vector.broadcast %jit3A_341 : i32 to vector<16xi32>
        %broadcast_in_dim3A_344 = vector.broadcast %jit3A_342 : i32 to vector<16xi32>
        %select_n3A_345 = arith.select %lt3A_340, %broadcast_in_dim3A_343, %broadcast_in_dim3A_344 : vector<16xi1>, vector<16xi32>
        %add3A_346 = arith.constant 31 : i32
        %add3A_347 = vector.broadcast %add3A_346 : i32 to vector<16xi32>
        %add3A_348 = arith.addi %select_n3A_345, %add3A_347 : vector<16xi32>
        %gather3A_349 = tpu.vector_load_idx %arg11[%add3A_348] : memref<128xf32, #tpu.memory_space<vmem>>[vector<16xi32>], vector<16xf32>,
        %lt3A_350 = arith.cmpf olt, %gather3A_349, %get3A_339 : vector<16xf32>
        %add3A_351 = arith.constant 32 : i32
        %add3A_352 = vector.broadcast %add3A_351 : i32 to vector<16xi32>
        %add3A_353 = arith.addi %select_n3A_345, %add3A_352 : vector<16xi32>
        %select_n3A_354 = arith.select %lt3A_350, %add3A_353, %select_n3A_345 : vector<16xi1>, vector<16xi32>
        %add3A_355 = arith.constant 15 : i32
        %add3A_356 = vector.broadcast %add3A_355 : i32 to vector<16xi32>
        %add3A_357 = arith.addi %select_n3A_354, %add3A_356 : vector<16xi32>
        %gather3A_358 = tpu.vector_load_idx %arg11[%add3A_357] : memref<128xf32, #tpu.memory_space<vmem>>[vector<16xi32>], vector<16xf32>,
        %lt3A_359 = arith.cmpf olt, %gather3A_358, %get3A_339 : vector<16xf32>
        %add3A_360 = arith.constant 16 : i32
        %add3A_361 = vector.broadcast %add3A_360 : i32 to vector<16xi32>
        %add3A_362 = arith.addi %select_n3A_354, %add3A_361 : vector<16xi32>
        %select_n3A_363 = arith.select %lt3A_359, %add3A_362, %select_n3A_354 : vector<16xi1>, vector<16xi32>
        %add3A_364 = arith.constant 7 : i32
        %add3A_365 = vector.broadcast %add3A_364 : i32 to vector<16xi32>
        %add3A_366 = arith.addi %select_n3A_363, %add3A_365 : vector<16xi32>
        %gather3A_367 = tpu.vector_load_idx %arg11[%add3A_366] : memref<128xf32, #tpu.memory_space<vmem>>[vector<16xi32>], vector<16xf32>,
        %lt3A_368 = arith.cmpf olt, %gather3A_367, %get3A_339 : vector<16xf32>
        %add3A_369 = arith.constant 8 : i32
        %add3A_370 = vector.broadcast %add3A_369 : i32 to vector<16xi32>
        %add3A_371 = arith.addi %select_n3A_363, %add3A_370 : vector<16xi32>
        %select_n3A_372 = arith.select %lt3A_368, %add3A_371, %select_n3A_363 : vector<16xi1>, vector<16xi32>
        %add3A_373 = arith.constant 3 : i32
        %add3A_374 = vector.broadcast %add3A_373 : i32 to vector<16xi32>
        %add3A_375 = arith.addi %select_n3A_372, %add3A_374 : vector<16xi32>
        %gather3A_376 = tpu.vector_load_idx %arg11[%add3A_375] : memref<128xf32, #tpu.memory_space<vmem>>[vector<16xi32>], vector<16xf32>,
        %lt3A_377 = arith.cmpf olt, %gather3A_376, %get3A_339 : vector<16xf32>
        %add3A_378 = arith.constant 4 : i32
        %add3A_379 = vector.broadcast %add3A_378 : i32 to vector<16xi32>
        %add3A_380 = arith.addi %select_n3A_372, %add3A_379 : vector<16xi32>
        %select_n3A_381 = arith.select %lt3A_377, %add3A_380, %select_n3A_372 : vector<16xi1>, vector<16xi32>
        %add3A_382 = arith.constant 1 : i32
        %add3A_383 = vector.broadcast %add3A_382 : i32 to vector<16xi32>
        %add3A_384 = arith.addi %select_n3A_381, %add3A_383 : vector<16xi32>
        %gather3A_385 = tpu.vector_load_idx %arg11[%add3A_384] : memref<128xf32, #tpu.memory_space<vmem>>[vector<16xi32>], vector<16xf32>,
        %lt3A_386 = arith.cmpf olt, %gather3A_385, %get3A_339 : vector<16xf32>
        %add3A_387 = arith.constant 2 : i32
        %add3A_388 = vector.broadcast %add3A_387 : i32 to vector<16xi32>
        %add3A_389 = arith.addi %select_n3A_381, %add3A_388 : vector<16xi32>
        %select_n3A_390 = arith.select %lt3A_386, %add3A_389, %select_n3A_381 : vector<16xi1>, vector<16xi32>
        %add3A_391 = arith.constant 0 : i32
        %add3A_392 = vector.broadcast %add3A_391 : i32 to vector<16xi32>
        %add3A_393 = arith.addi %select_n3A_390, %add3A_392 : vector<16xi32>
        %gather3A_394 = tpu.vector_load_idx %arg11[%add3A_393] : memref<128xf32, #tpu.memory_space<vmem>>[vector<16xi32>], vector<16xf32>,
        %lt3A_395 = arith.cmpf olt, %gather3A_394, %get3A_339 : vector<16xf32>
        %add3A_396 = arith.constant 1 : i32
        %add3A_397 = vector.broadcast %add3A_396 : i32 to vector<16xi32>
        %add3A_398 = arith.addi %select_n3A_390, %add3A_397 : vector<16xi32>
        %select_n3A_399 = arith.select %lt3A_395, %add3A_398, %select_n3A_390 : vector<16xi1>, vector<16xi32>
        %min3A_400 = arith.constant 127 : i32
        %min3A_401 = vector.broadcast %min3A_400 : i32 to vector<16xi32>
        %min3A_402 = arith.minsi %select_n3A_399, %min3A_401 : vector<16xi32>
        %gather3A_403 = tpu.vector_load_idx %arg11[%min3A_402] : memref<128xf32, #tpu.memory_space<vmem>>[vector<16xi32>], vector<16xf32>,
        %eq3A_404 = arith.constant 0 : i32
        %eq3A_405 = vector.broadcast %eq3A_404 : i32 to vector<16xi32>
        %eq3A_406 = arith.cmpi eq, %select_n3A_399, %eq3A_405 : vector<16xi32>
        %eq3A_407 = arith.constant 128 : i32
        %eq3A_408 = vector.broadcast %eq3A_407 : i32 to vector<16xi32>
        %eq3A_409 = arith.cmpi eq, %select_n3A_399, %eq3A_408 : vector<16xi32>
        %or3A_410 = arith.ori %eq3A_406, %eq3A_409 : vector<16xi1>
        %eq3A_411 = arith.cmpf oeq, %gather3A_403, %get3A_339 : vector<16xf32>
        %or3A_412 = arith.ori %or3A_410, %eq3A_411 : vector<16xi1>
        %ge3A_413 = arith.constant 0.000000e+00 : f32
        %ge3A_414 = vector.broadcast %ge3A_413 : f32 to vector<16xf32>
        %ge3A_415 = arith.cmpf oge, %get3A_339, %ge3A_414 : vector<16xf32>
        %and3A_416 = arith.andi %or3A_412, %ge3A_415 : vector<16xi1>
        %select_n3A_417 = arith.select %and3A_416, %get3A_339, %broadcast_in_dim3A_56 : vector<16xi1>, vector<16xf32>
        %min3A_418 = arith.minimumf %min3A_317, %select_n3A_417 : vector<16xf32>
        %sub3A_419 = arith.constant 1 : i32
        %sub3A_420 = vector.broadcast %sub3A_419 : i32 to vector<16xi32>
        %sub3A_421 = arith.subi %select_n3A_399, %sub3A_420 : vector<16xi32>
        %jit3A_422 = arith.constant 0 : i32
        %jit3A_423 = arith.constant 127 : i32
        %max3A_424 = vector.broadcast %jit3A_422 : i32 to vector<16xi32>
        %max3A_425 = arith.maxsi %max3A_424, %sub3A_421 : vector<16xi32>
        %min3A_426 = vector.broadcast %jit3A_423 : i32 to vector<16xi32>
        %min3A_427 = arith.minsi %min3A_426, %max3A_425 : vector<16xi32>
        %gather3A_428 = tpu.vector_load_idx %arg12[%min3A_427] : memref<128xf32, #tpu.memory_space<vmem>>[vector<16xi32>], vector<16xf32>,
        %mul3A_429 = arith.constant 16 : i32
        %mul3A_430 = arith.muli %add3A_335, %mul3A_429 : i32
        %swap3A_431 = arith.index_cast %mul3A_430 : i32 to index
        %swap3A_432 = tpu.vector_load %arg9[%swap3A_431] {strides = array<i32>} : memref<2000xf32, #tpu.memory_space<vmem>>, vector<16xf32>,
        tpu.vector_store %arg9[%swap3A_431], %gather3A_428 {strides = array<i32>} : memref<2000xf32, #tpu.memory_space<vmem>>, vector<16xf32>,
        %mul3A_433 = arith.constant 5 : i32
        %mul3A_434 = arith.muli %scan3A_136, %mul3A_433 : i32
        %add3A_435 = arith.constant 3 : i32
        %add3A_436 = arith.addi %mul3A_434, %add3A_435 : i32
        %mul3A_437 = arith.constant 16 : i32
        %mul3A_438 = arith.muli %add3A_436, %mul3A_437 : i32
        %get3A_439 = arith.index_cast %mul3A_438 : i32 to index
        %get3A_440 = tpu.vector_load %arg7[%get3A_439] {strides = array<i32>} : memref<2000xf32, #tpu.memory_space<vmem>>, vector<16xf32>,
        %lt3A_441 = arith.cmpf olt, %gather3A, %get3A_440 : vector<16xf32>
        %jit3A_442 = arith.constant 64 : i32
        %jit3A_443 = arith.constant 0 : i32
        %broadcast_in_dim3A_444 = vector.broadcast %jit3A_442 : i32 to vector<16xi32>
        %broadcast_in_dim3A_445 = vector.broadcast %jit3A_443 : i32 to vector<16xi32>
        %select_n3A_446 = arith.select %lt3A_441, %broadcast_in_dim3A_444, %broadcast_in_dim3A_445 : vector<16xi1>, vector<16xi32>
        %add3A_447 = arith.constant 31 : i32
        %add3A_448 = vector.broadcast %add3A_447 : i32 to vector<16xi32>
        %add3A_449 = arith.addi %select_n3A_446, %add3A_448 : vector<16xi32>
        %gather3A_450 = tpu.vector_load_idx %arg11[%add3A_449] : memref<128xf32, #tpu.memory_space<vmem>>[vector<16xi32>], vector<16xf32>,
        %lt3A_451 = arith.cmpf olt, %gather3A_450, %get3A_440 : vector<16xf32>
        %add3A_452 = arith.constant 32 : i32
        %add3A_453 = vector.broadcast %add3A_452 : i32 to vector<16xi32>
        %add3A_454 = arith.addi %select_n3A_446, %add3A_453 : vector<16xi32>
        %select_n3A_455 = arith.select %lt3A_451, %add3A_454, %select_n3A_446 : vector<16xi1>, vector<16xi32>
        %add3A_456 = arith.constant 15 : i32
        %add3A_457 = vector.broadcast %add3A_456 : i32 to vector<16xi32>
        %add3A_458 = arith.addi %select_n3A_455, %add3A_457 : vector<16xi32>
        %gather3A_459 = tpu.vector_load_idx %arg11[%add3A_458] : memref<128xf32, #tpu.memory_space<vmem>>[vector<16xi32>], vector<16xf32>,
        %lt3A_460 = arith.cmpf olt, %gather3A_459, %get3A_440 : vector<16xf32>
        %add3A_461 = arith.constant 16 : i32
        %add3A_462 = vector.broadcast %add3A_461 : i32 to vector<16xi32>
        %add3A_463 = arith.addi %select_n3A_455, %add3A_462 : vector<16xi32>
        %select_n3A_464 = arith.select %lt3A_460, %add3A_463, %select_n3A_455 : vector<16xi1>, vector<16xi32>
        %add3A_465 = arith.constant 7 : i32
        %add3A_466 = vector.broadcast %add3A_465 : i32 to vector<16xi32>
        %add3A_467 = arith.addi %select_n3A_464, %add3A_466 : vector<16xi32>
        %gather3A_468 = tpu.vector_load_idx %arg11[%add3A_467] : memref<128xf32, #tpu.memory_space<vmem>>[vector<16xi32>], vector<16xf32>,
        %lt3A_469 = arith.cmpf olt, %gather3A_468, %get3A_440 : vector<16xf32>
        %add3A_470 = arith.constant 8 : i32
        %add3A_471 = vector.broadcast %add3A_470 : i32 to vector<16xi32>
        %add3A_472 = arith.addi %select_n3A_464, %add3A_471 : vector<16xi32>
        %select_n3A_473 = arith.select %lt3A_469, %add3A_472, %select_n3A_464 : vector<16xi1>, vector<16xi32>
        %add3A_474 = arith.constant 3 : i32
        %add3A_475 = vector.broadcast %add3A_474 : i32 to vector<16xi32>
        %add3A_476 = arith.addi %select_n3A_473, %add3A_475 : vector<16xi32>
        %gather3A_477 = tpu.vector_load_idx %arg11[%add3A_476] : memref<128xf32, #tpu.memory_space<vmem>>[vector<16xi32>], vector<16xf32>,
        %lt3A_478 = arith.cmpf olt, %gather3A_477, %get3A_440 : vector<16xf32>
        %add3A_479 = arith.constant 4 : i32
        %add3A_480 = vector.broadcast %add3A_479 : i32 to vector<16xi32>
        %add3A_481 = arith.addi %select_n3A_473, %add3A_480 : vector<16xi32>
        %select_n3A_482 = arith.select %lt3A_478, %add3A_481, %select_n3A_473 : vector<16xi1>, vector<16xi32>
        %add3A_483 = arith.constant 1 : i32
        %add3A_484 = vector.broadcast %add3A_483 : i32 to vector<16xi32>
        %add3A_485 = arith.addi %select_n3A_482, %add3A_484 : vector<16xi32>
        %gather3A_486 = tpu.vector_load_idx %arg11[%add3A_485] : memref<128xf32, #tpu.memory_space<vmem>>[vector<16xi32>], vector<16xf32>,
        %lt3A_487 = arith.cmpf olt, %gather3A_486, %get3A_440 : vector<16xf32>
        %add3A_488 = arith.constant 2 : i32
        %add3A_489 = vector.broadcast %add3A_488 : i32 to vector<16xi32>
        %add3A_490 = arith.addi %select_n3A_482, %add3A_489 : vector<16xi32>
        %select_n3A_491 = arith.select %lt3A_487, %add3A_490, %select_n3A_482 : vector<16xi1>, vector<16xi32>
        %add3A_492 = arith.constant 0 : i32
        %add3A_493 = vector.broadcast %add3A_492 : i32 to vector<16xi32>
        %add3A_494 = arith.addi %select_n3A_491, %add3A_493 : vector<16xi32>
        %gather3A_495 = tpu.vector_load_idx %arg11[%add3A_494] : memref<128xf32, #tpu.memory_space<vmem>>[vector<16xi32>], vector<16xf32>,
        %lt3A_496 = arith.cmpf olt, %gather3A_495, %get3A_440 : vector<16xf32>
        %add3A_497 = arith.constant 1 : i32
        %add3A_498 = vector.broadcast %add3A_497 : i32 to vector<16xi32>
        %add3A_499 = arith.addi %select_n3A_491, %add3A_498 : vector<16xi32>
        %select_n3A_500 = arith.select %lt3A_496, %add3A_499, %select_n3A_491 : vector<16xi1>, vector<16xi32>
        %min3A_501 = arith.constant 127 : i32
        %min3A_502 = vector.broadcast %min3A_501 : i32 to vector<16xi32>
        %min3A_503 = arith.minsi %select_n3A_500, %min3A_502 : vector<16xi32>
        %gather3A_504 = tpu.vector_load_idx %arg11[%min3A_503] : memref<128xf32, #tpu.memory_space<vmem>>[vector<16xi32>], vector<16xf32>,
        %eq3A_505 = arith.constant 0 : i32
        %eq3A_506 = vector.broadcast %eq3A_505 : i32 to vector<16xi32>
        %eq3A_507 = arith.cmpi eq, %select_n3A_500, %eq3A_506 : vector<16xi32>
        %eq3A_508 = arith.constant 128 : i32
        %eq3A_509 = vector.broadcast %eq3A_508 : i32 to vector<16xi32>
        %eq3A_510 = arith.cmpi eq, %select_n3A_500, %eq3A_509 : vector<16xi32>
        %or3A_511 = arith.ori %eq3A_507, %eq3A_510 : vector<16xi1>
        %eq3A_512 = arith.cmpf oeq, %gather3A_504, %get3A_440 : vector<16xf32>
        %or3A_513 = arith.ori %or3A_511, %eq3A_512 : vector<16xi1>
        %ge3A_514 = arith.constant 0.000000e+00 : f32
        %ge3A_515 = vector.broadcast %ge3A_514 : f32 to vector<16xf32>
        %ge3A_516 = arith.cmpf oge, %get3A_440, %ge3A_515 : vector<16xf32>
        %and3A_517 = arith.andi %or3A_513, %ge3A_516 : vector<16xi1>
        %select_n3A_518 = arith.select %and3A_517, %get3A_440, %broadcast_in_dim3A_56 : vector<16xi1>, vector<16xf32>
        %min3A_519 = arith.minimumf %min3A_418, %select_n3A_518 : vector<16xf32>
        %sub3A_520 = arith.constant 1 : i32
        %sub3A_521 = vector.broadcast %sub3A_520 : i32 to vector<16xi32>
        %sub3A_522 = arith.subi %select_n3A_500, %sub3A_521 : vector<16xi32>
        %jit3A_523 = arith.constant 0 : i32
        %jit3A_524 = arith.constant 127 : i32
        %max3A_525 = vector.broadcast %jit3A_523 : i32 to vector<16xi32>
        %max3A_526 = arith.maxsi %max3A_525, %sub3A_522 : vector<16xi32>
        %min3A_527 = vector.broadcast %jit3A_524 : i32 to vector<16xi32>
        %min3A_528 = arith.minsi %min3A_527, %max3A_526 : vector<16xi32>
        %gather3A_529 = tpu.vector_load_idx %arg12[%min3A_528] : memref<128xf32, #tpu.memory_space<vmem>>[vector<16xi32>], vector<16xf32>,
        %mul3A_530 = arith.constant 16 : i32
        %mul3A_531 = arith.muli %add3A_436, %mul3A_530 : i32
        %swap3A_532 = arith.index_cast %mul3A_531 : i32 to index
        %swap3A_533 = tpu.vector_load %arg9[%swap3A_532] {strides = array<i32>} : memref<2000xf32, #tpu.memory_space<vmem>>, vector<16xf32>,
        tpu.vector_store %arg9[%swap3A_532], %gather3A_529 {strides = array<i32>} : memref<2000xf32, #tpu.memory_space<vmem>>, vector<16xf32>,
        %mul3A_534 = arith.constant 5 : i32
        %mul3A_535 = arith.muli %scan3A_136, %mul3A_534 : i32
        %add3A_536 = arith.constant 4 : i32
        %add3A_537 = arith.addi %mul3A_535, %add3A_536 : i32
        %mul3A_538 = arith.constant 16 : i32
        %mul3A_539 = arith.muli %add3A_537, %mul3A_538 : i32
        %get3A_540 = arith.index_cast %mul3A_539 : i32 to index
        %get3A_541 = tpu.vector_load %arg7[%get3A_540] {strides = array<i32>} : memref<2000xf32, #tpu.memory_space<vmem>>, vector<16xf32>,
        %lt3A_542 = arith.cmpf olt, %gather3A, %get3A_541 : vector<16xf32>
        %jit3A_543 = arith.constant 64 : i32
        %jit3A_544 = arith.constant 0 : i32
        %broadcast_in_dim3A_545 = vector.broadcast %jit3A_543 : i32 to vector<16xi32>
        %broadcast_in_dim3A_546 = vector.broadcast %jit3A_544 : i32 to vector<16xi32>
        %select_n3A_547 = arith.select %lt3A_542, %broadcast_in_dim3A_545, %broadcast_in_dim3A_546 : vector<16xi1>, vector<16xi32>
        %add3A_548 = arith.constant 31 : i32
        %add3A_549 = vector.broadcast %add3A_548 : i32 to vector<16xi32>
        %add3A_550 = arith.addi %select_n3A_547, %add3A_549 : vector<16xi32>
        %gather3A_551 = tpu.vector_load_idx %arg11[%add3A_550] : memref<128xf32, #tpu.memory_space<vmem>>[vector<16xi32>], vector<16xf32>,
        %lt3A_552 = arith.cmpf olt, %gather3A_551, %get3A_541 : vector<16xf32>
        %add3A_553 = arith.constant 32 : i32
        %add3A_554 = vector.broadcast %add3A_553 : i32 to vector<16xi32>
        %add3A_555 = arith.addi %select_n3A_547, %add3A_554 : vector<16xi32>
        %select_n3A_556 = arith.select %lt3A_552, %add3A_555, %select_n3A_547 : vector<16xi1>, vector<16xi32>
        %add3A_557 = arith.constant 15 : i32
        %add3A_558 = vector.broadcast %add3A_557 : i32 to vector<16xi32>
        %add3A_559 = arith.addi %select_n3A_556, %add3A_558 : vector<16xi32>
        %gather3A_560 = tpu.vector_load_idx %arg11[%add3A_559] : memref<128xf32, #tpu.memory_space<vmem>>[vector<16xi32>], vector<16xf32>,
        %lt3A_561 = arith.cmpf olt, %gather3A_560, %get3A_541 : vector<16xf32>
        %add3A_562 = arith.constant 16 : i32
        %add3A_563 = vector.broadcast %add3A_562 : i32 to vector<16xi32>
        %add3A_564 = arith.addi %select_n3A_556, %add3A_563 : vector<16xi32>
        %select_n3A_565 = arith.select %lt3A_561, %add3A_564, %select_n3A_556 : vector<16xi1>, vector<16xi32>
        %add3A_566 = arith.constant 7 : i32
        %add3A_567 = vector.broadcast %add3A_566 : i32 to vector<16xi32>
        %add3A_568 = arith.addi %select_n3A_565, %add3A_567 : vector<16xi32>
        %gather3A_569 = tpu.vector_load_idx %arg11[%add3A_568] : memref<128xf32, #tpu.memory_space<vmem>>[vector<16xi32>], vector<16xf32>,
        %lt3A_570 = arith.cmpf olt, %gather3A_569, %get3A_541 : vector<16xf32>
        %add3A_571 = arith.constant 8 : i32
        %add3A_572 = vector.broadcast %add3A_571 : i32 to vector<16xi32>
        %add3A_573 = arith.addi %select_n3A_565, %add3A_572 : vector<16xi32>
        %select_n3A_574 = arith.select %lt3A_570, %add3A_573, %select_n3A_565 : vector<16xi1>, vector<16xi32>
        %add3A_575 = arith.constant 3 : i32
        %add3A_576 = vector.broadcast %add3A_575 : i32 to vector<16xi32>
        %add3A_577 = arith.addi %select_n3A_574, %add3A_576 : vector<16xi32>
        %gather3A_578 = tpu.vector_load_idx %arg11[%add3A_577] : memref<128xf32, #tpu.memory_space<vmem>>[vector<16xi32>], vector<16xf32>,
        %lt3A_579 = arith.cmpf olt, %gather3A_578, %get3A_541 : vector<16xf32>
        %add3A_580 = arith.constant 4 : i32
        %add3A_581 = vector.broadcast %add3A_580 : i32 to vector<16xi32>
        %add3A_582 = arith.addi %select_n3A_574, %add3A_581 : vector<16xi32>
        %select_n3A_583 = arith.select %lt3A_579, %add3A_582, %select_n3A_574 : vector<16xi1>, vector<16xi32>
        %add3A_584 = arith.constant 1 : i32
        %add3A_585 = vector.broadcast %add3A_584 : i32 to vector<16xi32>
        %add3A_586 = arith.addi %select_n3A_583, %add3A_585 : vector<16xi32>
        %gather3A_587 = tpu.vector_load_idx %arg11[%add3A_586] : memref<128xf32, #tpu.memory_space<vmem>>[vector<16xi32>], vector<16xf32>,
        %lt3A_588 = arith.cmpf olt, %gather3A_587, %get3A_541 : vector<16xf32>
        %add3A_589 = arith.constant 2 : i32
        %add3A_590 = vector.broadcast %add3A_589 : i32 to vector<16xi32>
        %add3A_591 = arith.addi %select_n3A_583, %add3A_590 : vector<16xi32>
        %select_n3A_592 = arith.select %lt3A_588, %add3A_591, %select_n3A_583 : vector<16xi1>, vector<16xi32>
        %add3A_593 = arith.constant 0 : i32
        %add3A_594 = vector.broadcast %add3A_593 : i32 to vector<16xi32>
        %add3A_595 = arith.addi %select_n3A_592, %add3A_594 : vector<16xi32>
        %gather3A_596 = tpu.vector_load_idx %arg11[%add3A_595] : memref<128xf32, #tpu.memory_space<vmem>>[vector<16xi32>], vector<16xf32>,
        %lt3A_597 = arith.cmpf olt, %gather3A_596, %get3A_541 : vector<16xf32>
        %add3A_598 = arith.constant 1 : i32
        %add3A_599 = vector.broadcast %add3A_598 : i32 to vector<16xi32>
        %add3A_600 = arith.addi %select_n3A_592, %add3A_599 : vector<16xi32>
        %select_n3A_601 = arith.select %lt3A_597, %add3A_600, %select_n3A_592 : vector<16xi1>, vector<16xi32>
        %min3A_602 = arith.constant 127 : i32
        %min3A_603 = vector.broadcast %min3A_602 : i32 to vector<16xi32>
        %min3A_604 = arith.minsi %select_n3A_601, %min3A_603 : vector<16xi32>
        %gather3A_605 = tpu.vector_load_idx %arg11[%min3A_604] : memref<128xf32, #tpu.memory_space<vmem>>[vector<16xi32>], vector<16xf32>,
        %eq3A_606 = arith.constant 0 : i32
        %eq3A_607 = vector.broadcast %eq3A_606 : i32 to vector<16xi32>
        %eq3A_608 = arith.cmpi eq, %select_n3A_601, %eq3A_607 : vector<16xi32>
        %eq3A_609 = arith.constant 128 : i32
        %eq3A_610 = vector.broadcast %eq3A_609 : i32 to vector<16xi32>
        %eq3A_611 = arith.cmpi eq, %select_n3A_601, %eq3A_610 : vector<16xi32>
        %or3A_612 = arith.ori %eq3A_608, %eq3A_611 : vector<16xi1>
        %eq3A_613 = arith.cmpf oeq, %gather3A_605, %get3A_541 : vector<16xf32>
        %or3A_614 = arith.ori %or3A_612, %eq3A_613 : vector<16xi1>
        %ge3A_615 = arith.constant 0.000000e+00 : f32
        %ge3A_616 = vector.broadcast %ge3A_615 : f32 to vector<16xf32>
        %ge3A_617 = arith.cmpf oge, %get3A_541, %ge3A_616 : vector<16xf32>
        %and3A_618 = arith.andi %or3A_614, %ge3A_617 : vector<16xi1>
        %select_n3A_619 = arith.select %and3A_618, %get3A_541, %broadcast_in_dim3A_56 : vector<16xi1>, vector<16xf32>
        %min3A_620 = arith.minimumf %min3A_519, %select_n3A_619 : vector<16xf32>
        %sub3A_621 = arith.constant 1 : i32
        %sub3A_622 = vector.broadcast %sub3A_621 : i32 to vector<16xi32>
        %sub3A_623 = arith.subi %select_n3A_601, %sub3A_622 : vector<16xi32>
        %jit3A_624 = arith.constant 0 : i32
        %jit3A_625 = arith.constant 127 : i32
        %max3A_626 = vector.broadcast %jit3A_624 : i32 to vector<16xi32>
        %max3A_627 = arith.maxsi %max3A_626, %sub3A_623 : vector<16xi32>
        %min3A_628 = vector.broadcast %jit3A_625 : i32 to vector<16xi32>
        %min3A_629 = arith.minsi %min3A_628, %max3A_627 : vector<16xi32>
        %gather3A_630 = tpu.vector_load_idx %arg12[%min3A_629] : memref<128xf32, #tpu.memory_space<vmem>>[vector<16xi32>], vector<16xf32>,
        %mul3A_631 = arith.constant 16 : i32
        %mul3A_632 = arith.muli %add3A_537, %mul3A_631 : i32
        %swap3A_633 = arith.index_cast %mul3A_632 : i32 to index
        %swap3A_634 = tpu.vector_load %arg9[%swap3A_633] {strides = array<i32>} : memref<2000xf32, #tpu.memory_space<vmem>>, vector<16xf32>,
        tpu.vector_store %arg9[%swap3A_633], %gather3A_630 {strides = array<i32>} : memref<2000xf32, #tpu.memory_space<vmem>>, vector<16xf32>,
        scf.yield %min3A_620 : vector<16xf32>
      }
      %scan3A_96 = arith.constant 25 : i32
      %mul3A_97 = arith.constant 2000 : i32
      %mul3A_98 = arith.muli %mul3A_83, %mul3A_97 : i32
      %add3A_99 = arith.addi %mul3A_2, %mul3A_98 : i32
      %dma_start3A_100 = tpu.memref_slice %arg5[%add3A_99] : memref<2048000xf32, #tpu.memory_space<hbm>> -> memref<2000xf32, #tpu.memory_space<hbm>>
      %dma_start3A_101 = tpu.memref_slice %arg5[%add3A_99] : memref<2048000xf32, #tpu.memory_space<hbm>> -> memref<2000xf32, #tpu.memory_space<hbm>>
      tpu.enqueue_dma source(%arg9 : memref<2000xf32, #tpu.memory_space<vmem>>) target(%dma_start3A_101 : memref<2000xf32, #tpu.memory_space<hbm>>) target_semaphore(%arg16 : memref<!tpu.dma_semaphore, #tpu.memory_space<semaphore_mem>>)
      %le3A = arith.constant 14 : i32
      %le3A_102 = arith.cmpi sle, %scan3A_80, %le3A : i32
      %convert_element_type3A_103 = arith.extui %le3A_102 : i1 to i32
      %cond3A_104 = arith.constant 0 : i32
      %cond3A_105 = arith.cmpi ne, %convert_element_type3A_103, %cond3A_104 : i32
      scf.if %cond3A_105 {
        %add3A_136 = arith.constant 2 : i32
        %add3A_137 = arith.addi %mul3A_83, %add3A_136 : i32
        %mul3A_138 = arith.constant 2000 : i32
        %mul3A_139 = arith.muli %add3A_137, %mul3A_138 : i32
        %add3A_140 = arith.addi %mul3A_2, %mul3A_139 : i32
        %dma_start3A_141 = tpu.memref_slice %arg2[%add3A_140] : memref<2048000xf32, #tpu.memory_space<hbm>> -> memref<2000xf32, #tpu.memory_space<hbm>>
        %dma_start3A_142 = tpu.memref_slice %arg2[%add3A_140] : memref<2048000xf32, #tpu.memory_space<hbm>> -> memref<2000xf32, #tpu.memory_space<hbm>>
        tpu.enqueue_dma source(%dma_start3A_142 : memref<2000xf32, #tpu.memory_space<hbm>>) target(%arg7 : memref<2000xf32, #tpu.memory_space<vmem>>) target_semaphore(%arg14 : memref<!tpu.dma_semaphore, #tpu.memory_space<semaphore_mem>>)
      } else {
      }
      %mul3A_106 = arith.constant 2 : i32
      %mul3A_107 = arith.muli %mul3A_106, %scan3A_80 : i32
      %add3A_108 = arith.constant 1 : i32
      %add3A_109 = arith.addi %mul3A_107, %add3A_108 : i32
      %mul3A_110 = arith.constant 2000 : i32
      %mul3A_111 = arith.muli %add3A_109, %mul3A_110 : i32
      %add3A_112 = arith.addi %mul3A_2, %mul3A_111 : i32
      %dma_wait3A_113 = tpu.memref_slice %arg2[%add3A_112] : memref<2048000xf32, #tpu.memory_space<hbm>> -> memref<2000xf32, #tpu.memory_space<hbm>>
      %dma_wait3A_114 = tpu.memref_slice %arg2[%add3A_112] : memref<2048000xf32, #tpu.memory_space<hbm>> -> memref<2000xf32, #tpu.memory_space<hbm>>
      tpu.wait_dma2 semaphore(%arg15 : memref<!tpu.dma_semaphore, #tpu.memory_space<semaphore_mem>>) src(%dma_wait3A_114 : memref<2000xf32, #tpu.memory_space<hbm>>) dst(%arg8 : memref<2000xf32, #tpu.memory_space<vmem>>)
      %ge3A_115 = arith.constant 1 : i32
      %ge3A_116 = arith.cmpi sge, %scan3A_80, %ge3A_115 : i32
      %convert_element_type3A_117 = arith.extui %ge3A_116 : i1 to i32
      %cond3A_118 = arith.constant 0 : i32
      %cond3A_119 = arith.cmpi ne, %convert_element_type3A_117, %cond3A_118 : i32
      scf.if %cond3A_119 {
        %mul3A_136 = arith.constant 2000 : i32
        %mul3A_137 = arith.muli %add3A_109, %mul3A_136 : i32
        %add3A_138 = arith.addi %mul3A_2, %mul3A_137 : i32
        %dma_wait3A_139 = tpu.memref_slice %arg5[%add3A_138] : memref<2048000xf32, #tpu.memory_space<hbm>> -> memref<2000xf32, #tpu.memory_space<hbm>>
        %dma_wait3A_140 = tpu.memref_slice %arg5[%add3A_138] : memref<2048000xf32, #tpu.memory_space<hbm>> -> memref<2000xf32, #tpu.memory_space<hbm>>
        tpu.wait_dma2 semaphore(%arg17 : memref<!tpu.dma_semaphore, #tpu.memory_space<semaphore_mem>>) src(%arg10 : memref<2000xf32, #tpu.memory_space<vmem>>) dst(%dma_wait3A_140 : memref<2000xf32, #tpu.memory_space<hbm>>)
      } else {
      }
      %scan3A_120 = arith.constant 0 : i32
      %scan3A_121 = arith.constant 25 : i32
      %scan3A_122 = arith.addi %scan3A_120, %scan3A_121 : i32
      %scan3A_123 = arith.constant 1 : i32
      %scan3A_124 = scf.for %scan3A_136 = %scan3A_120 to %scan3A_122 step %scan3A_123 iter_args(%scan3A_137 = %scan3A_95) -> (vector<16xf32>)  : i32 {
        %mul3A_138 = arith.constant 5 : i32
        %mul3A_139 = arith.muli %scan3A_136, %mul3A_138 : i32
        %add3A_140 = arith.constant 0 : i32
        %add3A_141 = arith.addi %mul3A_139, %add3A_140 : i32
        %mul3A_142 = arith.constant 16 : i32
        %mul3A_143 = arith.muli %add3A_141, %mul3A_142 : i32
        %get3A_144 = arith.index_cast %mul3A_143 : i32 to index
        %get3A_145 = tpu.vector_load %arg8[%get3A_144] {strides = array<i32>} : memref<2000xf32, #tpu.memory_space<vmem>>, vector<16xf32>,
        %lt3A = arith.cmpf olt, %gather3A, %get3A_145 : vector<16xf32>
        %jit3A = arith.constant 64 : i32
        %jit3A_146 = arith.constant 0 : i32
        %broadcast_in_dim3A_147 = vector.broadcast %jit3A : i32 to vector<16xi32>
        %broadcast_in_dim3A_148 = vector.broadcast %jit3A_146 : i32 to vector<16xi32>
        %select_n3A = arith.select %lt3A, %broadcast_in_dim3A_147, %broadcast_in_dim3A_148 : vector<16xi1>, vector<16xi32>
        %add3A_149 = arith.constant 31 : i32
        %add3A_150 = vector.broadcast %add3A_149 : i32 to vector<16xi32>
        %add3A_151 = arith.addi %select_n3A, %add3A_150 : vector<16xi32>
        %gather3A_152 = tpu.vector_load_idx %arg11[%add3A_151] : memref<128xf32, #tpu.memory_space<vmem>>[vector<16xi32>], vector<16xf32>,
        %lt3A_153 = arith.cmpf olt, %gather3A_152, %get3A_145 : vector<16xf32>
        %add3A_154 = arith.constant 32 : i32
        %add3A_155 = vector.broadcast %add3A_154 : i32 to vector<16xi32>
        %add3A_156 = arith.addi %select_n3A, %add3A_155 : vector<16xi32>
        %select_n3A_157 = arith.select %lt3A_153, %add3A_156, %select_n3A : vector<16xi1>, vector<16xi32>
        %add3A_158 = arith.constant 15 : i32
        %add3A_159 = vector.broadcast %add3A_158 : i32 to vector<16xi32>
        %add3A_160 = arith.addi %select_n3A_157, %add3A_159 : vector<16xi32>
        %gather3A_161 = tpu.vector_load_idx %arg11[%add3A_160] : memref<128xf32, #tpu.memory_space<vmem>>[vector<16xi32>], vector<16xf32>,
        %lt3A_162 = arith.cmpf olt, %gather3A_161, %get3A_145 : vector<16xf32>
        %add3A_163 = arith.constant 16 : i32
        %add3A_164 = vector.broadcast %add3A_163 : i32 to vector<16xi32>
        %add3A_165 = arith.addi %select_n3A_157, %add3A_164 : vector<16xi32>
        %select_n3A_166 = arith.select %lt3A_162, %add3A_165, %select_n3A_157 : vector<16xi1>, vector<16xi32>
        %add3A_167 = arith.constant 7 : i32
        %add3A_168 = vector.broadcast %add3A_167 : i32 to vector<16xi32>
        %add3A_169 = arith.addi %select_n3A_166, %add3A_168 : vector<16xi32>
        %gather3A_170 = tpu.vector_load_idx %arg11[%add3A_169] : memref<128xf32, #tpu.memory_space<vmem>>[vector<16xi32>], vector<16xf32>,
        %lt3A_171 = arith.cmpf olt, %gather3A_170, %get3A_145 : vector<16xf32>
        %add3A_172 = arith.constant 8 : i32
        %add3A_173 = vector.broadcast %add3A_172 : i32 to vector<16xi32>
        %add3A_174 = arith.addi %select_n3A_166, %add3A_173 : vector<16xi32>
        %select_n3A_175 = arith.select %lt3A_171, %add3A_174, %select_n3A_166 : vector<16xi1>, vector<16xi32>
        %add3A_176 = arith.constant 3 : i32
        %add3A_177 = vector.broadcast %add3A_176 : i32 to vector<16xi32>
        %add3A_178 = arith.addi %select_n3A_175, %add3A_177 : vector<16xi32>
        %gather3A_179 = tpu.vector_load_idx %arg11[%add3A_178] : memref<128xf32, #tpu.memory_space<vmem>>[vector<16xi32>], vector<16xf32>,
        %lt3A_180 = arith.cmpf olt, %gather3A_179, %get3A_145 : vector<16xf32>
        %add3A_181 = arith.constant 4 : i32
        %add3A_182 = vector.broadcast %add3A_181 : i32 to vector<16xi32>
        %add3A_183 = arith.addi %select_n3A_175, %add3A_182 : vector<16xi32>
        %select_n3A_184 = arith.select %lt3A_180, %add3A_183, %select_n3A_175 : vector<16xi1>, vector<16xi32>
        %add3A_185 = arith.constant 1 : i32
        %add3A_186 = vector.broadcast %add3A_185 : i32 to vector<16xi32>
        %add3A_187 = arith.addi %select_n3A_184, %add3A_186 : vector<16xi32>
        %gather3A_188 = tpu.vector_load_idx %arg11[%add3A_187] : memref<128xf32, #tpu.memory_space<vmem>>[vector<16xi32>], vector<16xf32>,
        %lt3A_189 = arith.cmpf olt, %gather3A_188, %get3A_145 : vector<16xf32>
        %add3A_190 = arith.constant 2 : i32
        %add3A_191 = vector.broadcast %add3A_190 : i32 to vector<16xi32>
        %add3A_192 = arith.addi %select_n3A_184, %add3A_191 : vector<16xi32>
        %select_n3A_193 = arith.select %lt3A_189, %add3A_192, %select_n3A_184 : vector<16xi1>, vector<16xi32>
        %add3A_194 = arith.constant 0 : i32
        %add3A_195 = vector.broadcast %add3A_194 : i32 to vector<16xi32>
        %add3A_196 = arith.addi %select_n3A_193, %add3A_195 : vector<16xi32>
        %gather3A_197 = tpu.vector_load_idx %arg11[%add3A_196] : memref<128xf32, #tpu.memory_space<vmem>>[vector<16xi32>], vector<16xf32>,
        %lt3A_198 = arith.cmpf olt, %gather3A_197, %get3A_145 : vector<16xf32>
        %add3A_199 = arith.constant 1 : i32
        %add3A_200 = vector.broadcast %add3A_199 : i32 to vector<16xi32>
        %add3A_201 = arith.addi %select_n3A_193, %add3A_200 : vector<16xi32>
        %select_n3A_202 = arith.select %lt3A_198, %add3A_201, %select_n3A_193 : vector<16xi1>, vector<16xi32>
        %min3A = arith.constant 127 : i32
        %min3A_203 = vector.broadcast %min3A : i32 to vector<16xi32>
        %min3A_204 = arith.minsi %select_n3A_202, %min3A_203 : vector<16xi32>
        %gather3A_205 = tpu.vector_load_idx %arg11[%min3A_204] : memref<128xf32, #tpu.memory_space<vmem>>[vector<16xi32>], vector<16xf32>,
        %eq3A = arith.constant 0 : i32
        %eq3A_206 = vector.broadcast %eq3A : i32 to vector<16xi32>
        %eq3A_207 = arith.cmpi eq, %select_n3A_202, %eq3A_206 : vector<16xi32>
        %eq3A_208 = arith.constant 128 : i32
        %eq3A_209 = vector.broadcast %eq3A_208 : i32 to vector<16xi32>
        %eq3A_210 = arith.cmpi eq, %select_n3A_202, %eq3A_209 : vector<16xi32>
        %or3A = arith.ori %eq3A_207, %eq3A_210 : vector<16xi1>
        %eq3A_211 = arith.cmpf oeq, %gather3A_205, %get3A_145 : vector<16xf32>
        %or3A_212 = arith.ori %or3A, %eq3A_211 : vector<16xi1>
        %ge3A_213 = arith.constant 0.000000e+00 : f32
        %ge3A_214 = vector.broadcast %ge3A_213 : f32 to vector<16xf32>
        %ge3A_215 = arith.cmpf oge, %get3A_145, %ge3A_214 : vector<16xf32>
        %and3A = arith.andi %or3A_212, %ge3A_215 : vector<16xi1>
        %select_n3A_216 = arith.select %and3A, %get3A_145, %broadcast_in_dim3A_56 : vector<16xi1>, vector<16xf32>
        %min3A_217 = arith.minimumf %scan3A_137, %select_n3A_216 : vector<16xf32>
        %sub3A = arith.constant 1 : i32
        %sub3A_218 = vector.broadcast %sub3A : i32 to vector<16xi32>
        %sub3A_219 = arith.subi %select_n3A_202, %sub3A_218 : vector<16xi32>
        %jit3A_220 = arith.constant 0 : i32
        %jit3A_221 = arith.constant 127 : i32
        %max3A_222 = vector.broadcast %jit3A_220 : i32 to vector<16xi32>
        %max3A_223 = arith.maxsi %max3A_222, %sub3A_219 : vector<16xi32>
        %min3A_224 = vector.broadcast %jit3A_221 : i32 to vector<16xi32>
        %min3A_225 = arith.minsi %min3A_224, %max3A_223 : vector<16xi32>
        %gather3A_226 = tpu.vector_load_idx %arg12[%min3A_225] : memref<128xf32, #tpu.memory_space<vmem>>[vector<16xi32>], vector<16xf32>,
        %mul3A_227 = arith.constant 16 : i32
        %mul3A_228 = arith.muli %add3A_141, %mul3A_227 : i32
        %swap3A_229 = arith.index_cast %mul3A_228 : i32 to index
        %swap3A_230 = tpu.vector_load %arg10[%swap3A_229] {strides = array<i32>} : memref<2000xf32, #tpu.memory_space<vmem>>, vector<16xf32>,
        tpu.vector_store %arg10[%swap3A_229], %gather3A_226 {strides = array<i32>} : memref<2000xf32, #tpu.memory_space<vmem>>, vector<16xf32>,
        %mul3A_231 = arith.constant 5 : i32
        %mul3A_232 = arith.muli %scan3A_136, %mul3A_231 : i32
        %add3A_233 = arith.constant 1 : i32
        %add3A_234 = arith.addi %mul3A_232, %add3A_233 : i32
        %mul3A_235 = arith.constant 16 : i32
        %mul3A_236 = arith.muli %add3A_234, %mul3A_235 : i32
        %get3A_237 = arith.index_cast %mul3A_236 : i32 to index
        %get3A_238 = tpu.vector_load %arg8[%get3A_237] {strides = array<i32>} : memref<2000xf32, #tpu.memory_space<vmem>>, vector<16xf32>,
        %lt3A_239 = arith.cmpf olt, %gather3A, %get3A_238 : vector<16xf32>
        %jit3A_240 = arith.constant 64 : i32
        %jit3A_241 = arith.constant 0 : i32
        %broadcast_in_dim3A_242 = vector.broadcast %jit3A_240 : i32 to vector<16xi32>
        %broadcast_in_dim3A_243 = vector.broadcast %jit3A_241 : i32 to vector<16xi32>
        %select_n3A_244 = arith.select %lt3A_239, %broadcast_in_dim3A_242, %broadcast_in_dim3A_243 : vector<16xi1>, vector<16xi32>
        %add3A_245 = arith.constant 31 : i32
        %add3A_246 = vector.broadcast %add3A_245 : i32 to vector<16xi32>
        %add3A_247 = arith.addi %select_n3A_244, %add3A_246 : vector<16xi32>
        %gather3A_248 = tpu.vector_load_idx %arg11[%add3A_247] : memref<128xf32, #tpu.memory_space<vmem>>[vector<16xi32>], vector<16xf32>,
        %lt3A_249 = arith.cmpf olt, %gather3A_248, %get3A_238 : vector<16xf32>
        %add3A_250 = arith.constant 32 : i32
        %add3A_251 = vector.broadcast %add3A_250 : i32 to vector<16xi32>
        %add3A_252 = arith.addi %select_n3A_244, %add3A_251 : vector<16xi32>
        %select_n3A_253 = arith.select %lt3A_249, %add3A_252, %select_n3A_244 : vector<16xi1>, vector<16xi32>
        %add3A_254 = arith.constant 15 : i32
        %add3A_255 = vector.broadcast %add3A_254 : i32 to vector<16xi32>
        %add3A_256 = arith.addi %select_n3A_253, %add3A_255 : vector<16xi32>
        %gather3A_257 = tpu.vector_load_idx %arg11[%add3A_256] : memref<128xf32, #tpu.memory_space<vmem>>[vector<16xi32>], vector<16xf32>,
        %lt3A_258 = arith.cmpf olt, %gather3A_257, %get3A_238 : vector<16xf32>
        %add3A_259 = arith.constant 16 : i32
        %add3A_260 = vector.broadcast %add3A_259 : i32 to vector<16xi32>
        %add3A_261 = arith.addi %select_n3A_253, %add3A_260 : vector<16xi32>
        %select_n3A_262 = arith.select %lt3A_258, %add3A_261, %select_n3A_253 : vector<16xi1>, vector<16xi32>
        %add3A_263 = arith.constant 7 : i32
        %add3A_264 = vector.broadcast %add3A_263 : i32 to vector<16xi32>
        %add3A_265 = arith.addi %select_n3A_262, %add3A_264 : vector<16xi32>
        %gather3A_266 = tpu.vector_load_idx %arg11[%add3A_265] : memref<128xf32, #tpu.memory_space<vmem>>[vector<16xi32>], vector<16xf32>,
        %lt3A_267 = arith.cmpf olt, %gather3A_266, %get3A_238 : vector<16xf32>
        %add3A_268 = arith.constant 8 : i32
        %add3A_269 = vector.broadcast %add3A_268 : i32 to vector<16xi32>
        %add3A_270 = arith.addi %select_n3A_262, %add3A_269 : vector<16xi32>
        %select_n3A_271 = arith.select %lt3A_267, %add3A_270, %select_n3A_262 : vector<16xi1>, vector<16xi32>
        %add3A_272 = arith.constant 3 : i32
        %add3A_273 = vector.broadcast %add3A_272 : i32 to vector<16xi32>
        %add3A_274 = arith.addi %select_n3A_271, %add3A_273 : vector<16xi32>
        %gather3A_275 = tpu.vector_load_idx %arg11[%add3A_274] : memref<128xf32, #tpu.memory_space<vmem>>[vector<16xi32>], vector<16xf32>,
        %lt3A_276 = arith.cmpf olt, %gather3A_275, %get3A_238 : vector<16xf32>
        %add3A_277 = arith.constant 4 : i32
        %add3A_278 = vector.broadcast %add3A_277 : i32 to vector<16xi32>
        %add3A_279 = arith.addi %select_n3A_271, %add3A_278 : vector<16xi32>
        %select_n3A_280 = arith.select %lt3A_276, %add3A_279, %select_n3A_271 : vector<16xi1>, vector<16xi32>
        %add3A_281 = arith.constant 1 : i32
        %add3A_282 = vector.broadcast %add3A_281 : i32 to vector<16xi32>
        %add3A_283 = arith.addi %select_n3A_280, %add3A_282 : vector<16xi32>
        %gather3A_284 = tpu.vector_load_idx %arg11[%add3A_283] : memref<128xf32, #tpu.memory_space<vmem>>[vector<16xi32>], vector<16xf32>,
        %lt3A_285 = arith.cmpf olt, %gather3A_284, %get3A_238 : vector<16xf32>
        %add3A_286 = arith.constant 2 : i32
        %add3A_287 = vector.broadcast %add3A_286 : i32 to vector<16xi32>
        %add3A_288 = arith.addi %select_n3A_280, %add3A_287 : vector<16xi32>
        %select_n3A_289 = arith.select %lt3A_285, %add3A_288, %select_n3A_280 : vector<16xi1>, vector<16xi32>
        %add3A_290 = arith.constant 0 : i32
        %add3A_291 = vector.broadcast %add3A_290 : i32 to vector<16xi32>
        %add3A_292 = arith.addi %select_n3A_289, %add3A_291 : vector<16xi32>
        %gather3A_293 = tpu.vector_load_idx %arg11[%add3A_292] : memref<128xf32, #tpu.memory_space<vmem>>[vector<16xi32>], vector<16xf32>,
        %lt3A_294 = arith.cmpf olt, %gather3A_293, %get3A_238 : vector<16xf32>
        %add3A_295 = arith.constant 1 : i32
        %add3A_296 = vector.broadcast %add3A_295 : i32 to vector<16xi32>
        %add3A_297 = arith.addi %select_n3A_289, %add3A_296 : vector<16xi32>
        %select_n3A_298 = arith.select %lt3A_294, %add3A_297, %select_n3A_289 : vector<16xi1>, vector<16xi32>
        %min3A_299 = arith.constant 127 : i32
        %min3A_300 = vector.broadcast %min3A_299 : i32 to vector<16xi32>
        %min3A_301 = arith.minsi %select_n3A_298, %min3A_300 : vector<16xi32>
        %gather3A_302 = tpu.vector_load_idx %arg11[%min3A_301] : memref<128xf32, #tpu.memory_space<vmem>>[vector<16xi32>], vector<16xf32>,
        %eq3A_303 = arith.constant 0 : i32
        %eq3A_304 = vector.broadcast %eq3A_303 : i32 to vector<16xi32>
        %eq3A_305 = arith.cmpi eq, %select_n3A_298, %eq3A_304 : vector<16xi32>
        %eq3A_306 = arith.constant 128 : i32
        %eq3A_307 = vector.broadcast %eq3A_306 : i32 to vector<16xi32>
        %eq3A_308 = arith.cmpi eq, %select_n3A_298, %eq3A_307 : vector<16xi32>
        %or3A_309 = arith.ori %eq3A_305, %eq3A_308 : vector<16xi1>
        %eq3A_310 = arith.cmpf oeq, %gather3A_302, %get3A_238 : vector<16xf32>
        %or3A_311 = arith.ori %or3A_309, %eq3A_310 : vector<16xi1>
        %ge3A_312 = arith.constant 0.000000e+00 : f32
        %ge3A_313 = vector.broadcast %ge3A_312 : f32 to vector<16xf32>
        %ge3A_314 = arith.cmpf oge, %get3A_238, %ge3A_313 : vector<16xf32>
        %and3A_315 = arith.andi %or3A_311, %ge3A_314 : vector<16xi1>
        %select_n3A_316 = arith.select %and3A_315, %get3A_238, %broadcast_in_dim3A_56 : vector<16xi1>, vector<16xf32>
        %min3A_317 = arith.minimumf %min3A_217, %select_n3A_316 : vector<16xf32>
        %sub3A_318 = arith.constant 1 : i32
        %sub3A_319 = vector.broadcast %sub3A_318 : i32 to vector<16xi32>
        %sub3A_320 = arith.subi %select_n3A_298, %sub3A_319 : vector<16xi32>
        %jit3A_321 = arith.constant 0 : i32
        %jit3A_322 = arith.constant 127 : i32
        %max3A_323 = vector.broadcast %jit3A_321 : i32 to vector<16xi32>
        %max3A_324 = arith.maxsi %max3A_323, %sub3A_320 : vector<16xi32>
        %min3A_325 = vector.broadcast %jit3A_322 : i32 to vector<16xi32>
        %min3A_326 = arith.minsi %min3A_325, %max3A_324 : vector<16xi32>
        %gather3A_327 = tpu.vector_load_idx %arg12[%min3A_326] : memref<128xf32, #tpu.memory_space<vmem>>[vector<16xi32>], vector<16xf32>,
        %mul3A_328 = arith.constant 16 : i32
        %mul3A_329 = arith.muli %add3A_234, %mul3A_328 : i32
        %swap3A_330 = arith.index_cast %mul3A_329 : i32 to index
        %swap3A_331 = tpu.vector_load %arg10[%swap3A_330] {strides = array<i32>} : memref<2000xf32, #tpu.memory_space<vmem>>, vector<16xf32>,
        tpu.vector_store %arg10[%swap3A_330], %gather3A_327 {strides = array<i32>} : memref<2000xf32, #tpu.memory_space<vmem>>, vector<16xf32>,
        %mul3A_332 = arith.constant 5 : i32
        %mul3A_333 = arith.muli %scan3A_136, %mul3A_332 : i32
        %add3A_334 = arith.constant 2 : i32
        %add3A_335 = arith.addi %mul3A_333, %add3A_334 : i32
        %mul3A_336 = arith.constant 16 : i32
        %mul3A_337 = arith.muli %add3A_335, %mul3A_336 : i32
        %get3A_338 = arith.index_cast %mul3A_337 : i32 to index
        %get3A_339 = tpu.vector_load %arg8[%get3A_338] {strides = array<i32>} : memref<2000xf32, #tpu.memory_space<vmem>>, vector<16xf32>,
        %lt3A_340 = arith.cmpf olt, %gather3A, %get3A_339 : vector<16xf32>
        %jit3A_341 = arith.constant 64 : i32
        %jit3A_342 = arith.constant 0 : i32
        %broadcast_in_dim3A_343 = vector.broadcast %jit3A_341 : i32 to vector<16xi32>
        %broadcast_in_dim3A_344 = vector.broadcast %jit3A_342 : i32 to vector<16xi32>
        %select_n3A_345 = arith.select %lt3A_340, %broadcast_in_dim3A_343, %broadcast_in_dim3A_344 : vector<16xi1>, vector<16xi32>
        %add3A_346 = arith.constant 31 : i32
        %add3A_347 = vector.broadcast %add3A_346 : i32 to vector<16xi32>
        %add3A_348 = arith.addi %select_n3A_345, %add3A_347 : vector<16xi32>
        %gather3A_349 = tpu.vector_load_idx %arg11[%add3A_348] : memref<128xf32, #tpu.memory_space<vmem>>[vector<16xi32>], vector<16xf32>,
        %lt3A_350 = arith.cmpf olt, %gather3A_349, %get3A_339 : vector<16xf32>
        %add3A_351 = arith.constant 32 : i32
        %add3A_352 = vector.broadcast %add3A_351 : i32 to vector<16xi32>
        %add3A_353 = arith.addi %select_n3A_345, %add3A_352 : vector<16xi32>
        %select_n3A_354 = arith.select %lt3A_350, %add3A_353, %select_n3A_345 : vector<16xi1>, vector<16xi32>
        %add3A_355 = arith.constant 15 : i32
        %add3A_356 = vector.broadcast %add3A_355 : i32 to vector<16xi32>
        %add3A_357 = arith.addi %select_n3A_354, %add3A_356 : vector<16xi32>
        %gather3A_358 = tpu.vector_load_idx %arg11[%add3A_357] : memref<128xf32, #tpu.memory_space<vmem>>[vector<16xi32>], vector<16xf32>,
        %lt3A_359 = arith.cmpf olt, %gather3A_358, %get3A_339 : vector<16xf32>
        %add3A_360 = arith.constant 16 : i32
        %add3A_361 = vector.broadcast %add3A_360 : i32 to vector<16xi32>
        %add3A_362 = arith.addi %select_n3A_354, %add3A_361 : vector<16xi32>
        %select_n3A_363 = arith.select %lt3A_359, %add3A_362, %select_n3A_354 : vector<16xi1>, vector<16xi32>
        %add3A_364 = arith.constant 7 : i32
        %add3A_365 = vector.broadcast %add3A_364 : i32 to vector<16xi32>
        %add3A_366 = arith.addi %select_n3A_363, %add3A_365 : vector<16xi32>
        %gather3A_367 = tpu.vector_load_idx %arg11[%add3A_366] : memref<128xf32, #tpu.memory_space<vmem>>[vector<16xi32>], vector<16xf32>,
        %lt3A_368 = arith.cmpf olt, %gather3A_367, %get3A_339 : vector<16xf32>
        %add3A_369 = arith.constant 8 : i32
        %add3A_370 = vector.broadcast %add3A_369 : i32 to vector<16xi32>
        %add3A_371 = arith.addi %select_n3A_363, %add3A_370 : vector<16xi32>
        %select_n3A_372 = arith.select %lt3A_368, %add3A_371, %select_n3A_363 : vector<16xi1>, vector<16xi32>
        %add3A_373 = arith.constant 3 : i32
        %add3A_374 = vector.broadcast %add3A_373 : i32 to vector<16xi32>
        %add3A_375 = arith.addi %select_n3A_372, %add3A_374 : vector<16xi32>
        %gather3A_376 = tpu.vector_load_idx %arg11[%add3A_375] : memref<128xf32, #tpu.memory_space<vmem>>[vector<16xi32>], vector<16xf32>,
        %lt3A_377 = arith.cmpf olt, %gather3A_376, %get3A_339 : vector<16xf32>
        %add3A_378 = arith.constant 4 : i32
        %add3A_379 = vector.broadcast %add3A_378 : i32 to vector<16xi32>
        %add3A_380 = arith.addi %select_n3A_372, %add3A_379 : vector<16xi32>
        %select_n3A_381 = arith.select %lt3A_377, %add3A_380, %select_n3A_372 : vector<16xi1>, vector<16xi32>
        %add3A_382 = arith.constant 1 : i32
        %add3A_383 = vector.broadcast %add3A_382 : i32 to vector<16xi32>
        %add3A_384 = arith.addi %select_n3A_381, %add3A_383 : vector<16xi32>
        %gather3A_385 = tpu.vector_load_idx %arg11[%add3A_384] : memref<128xf32, #tpu.memory_space<vmem>>[vector<16xi32>], vector<16xf32>,
        %lt3A_386 = arith.cmpf olt, %gather3A_385, %get3A_339 : vector<16xf32>
        %add3A_387 = arith.constant 2 : i32
        %add3A_388 = vector.broadcast %add3A_387 : i32 to vector<16xi32>
        %add3A_389 = arith.addi %select_n3A_381, %add3A_388 : vector<16xi32>
        %select_n3A_390 = arith.select %lt3A_386, %add3A_389, %select_n3A_381 : vector<16xi1>, vector<16xi32>
        %add3A_391 = arith.constant 0 : i32
        %add3A_392 = vector.broadcast %add3A_391 : i32 to vector<16xi32>
        %add3A_393 = arith.addi %select_n3A_390, %add3A_392 : vector<16xi32>
        %gather3A_394 = tpu.vector_load_idx %arg11[%add3A_393] : memref<128xf32, #tpu.memory_space<vmem>>[vector<16xi32>], vector<16xf32>,
        %lt3A_395 = arith.cmpf olt, %gather3A_394, %get3A_339 : vector<16xf32>
        %add3A_396 = arith.constant 1 : i32
        %add3A_397 = vector.broadcast %add3A_396 : i32 to vector<16xi32>
        %add3A_398 = arith.addi %select_n3A_390, %add3A_397 : vector<16xi32>
        %select_n3A_399 = arith.select %lt3A_395, %add3A_398, %select_n3A_390 : vector<16xi1>, vector<16xi32>
        %min3A_400 = arith.constant 127 : i32
        %min3A_401 = vector.broadcast %min3A_400 : i32 to vector<16xi32>
        %min3A_402 = arith.minsi %select_n3A_399, %min3A_401 : vector<16xi32>
        %gather3A_403 = tpu.vector_load_idx %arg11[%min3A_402] : memref<128xf32, #tpu.memory_space<vmem>>[vector<16xi32>], vector<16xf32>,
        %eq3A_404 = arith.constant 0 : i32
        %eq3A_405 = vector.broadcast %eq3A_404 : i32 to vector<16xi32>
        %eq3A_406 = arith.cmpi eq, %select_n3A_399, %eq3A_405 : vector<16xi32>
        %eq3A_407 = arith.constant 128 : i32
        %eq3A_408 = vector.broadcast %eq3A_407 : i32 to vector<16xi32>
        %eq3A_409 = arith.cmpi eq, %select_n3A_399, %eq3A_408 : vector<16xi32>
        %or3A_410 = arith.ori %eq3A_406, %eq3A_409 : vector<16xi1>
        %eq3A_411 = arith.cmpf oeq, %gather3A_403, %get3A_339 : vector<16xf32>
        %or3A_412 = arith.ori %or3A_410, %eq3A_411 : vector<16xi1>
        %ge3A_413 = arith.constant 0.000000e+00 : f32
        %ge3A_414 = vector.broadcast %ge3A_413 : f32 to vector<16xf32>
        %ge3A_415 = arith.cmpf oge, %get3A_339, %ge3A_414 : vector<16xf32>
        %and3A_416 = arith.andi %or3A_412, %ge3A_415 : vector<16xi1>
        %select_n3A_417 = arith.select %and3A_416, %get3A_339, %broadcast_in_dim3A_56 : vector<16xi1>, vector<16xf32>
        %min3A_418 = arith.minimumf %min3A_317, %select_n3A_417 : vector<16xf32>
        %sub3A_419 = arith.constant 1 : i32
        %sub3A_420 = vector.broadcast %sub3A_419 : i32 to vector<16xi32>
        %sub3A_421 = arith.subi %select_n3A_399, %sub3A_420 : vector<16xi32>
        %jit3A_422 = arith.constant 0 : i32
        %jit3A_423 = arith.constant 127 : i32
        %max3A_424 = vector.broadcast %jit3A_422 : i32 to vector<16xi32>
        %max3A_425 = arith.maxsi %max3A_424, %sub3A_421 : vector<16xi32>
        %min3A_426 = vector.broadcast %jit3A_423 : i32 to vector<16xi32>
        %min3A_427 = arith.minsi %min3A_426, %max3A_425 : vector<16xi32>
        %gather3A_428 = tpu.vector_load_idx %arg12[%min3A_427] : memref<128xf32, #tpu.memory_space<vmem>>[vector<16xi32>], vector<16xf32>,
        %mul3A_429 = arith.constant 16 : i32
        %mul3A_430 = arith.muli %add3A_335, %mul3A_429 : i32
        %swap3A_431 = arith.index_cast %mul3A_430 : i32 to index
        %swap3A_432 = tpu.vector_load %arg10[%swap3A_431] {strides = array<i32>} : memref<2000xf32, #tpu.memory_space<vmem>>, vector<16xf32>,
        tpu.vector_store %arg10[%swap3A_431], %gather3A_428 {strides = array<i32>} : memref<2000xf32, #tpu.memory_space<vmem>>, vector<16xf32>,
        %mul3A_433 = arith.constant 5 : i32
        %mul3A_434 = arith.muli %scan3A_136, %mul3A_433 : i32
        %add3A_435 = arith.constant 3 : i32
        %add3A_436 = arith.addi %mul3A_434, %add3A_435 : i32
        %mul3A_437 = arith.constant 16 : i32
        %mul3A_438 = arith.muli %add3A_436, %mul3A_437 : i32
        %get3A_439 = arith.index_cast %mul3A_438 : i32 to index
        %get3A_440 = tpu.vector_load %arg8[%get3A_439] {strides = array<i32>} : memref<2000xf32, #tpu.memory_space<vmem>>, vector<16xf32>,
        %lt3A_441 = arith.cmpf olt, %gather3A, %get3A_440 : vector<16xf32>
        %jit3A_442 = arith.constant 64 : i32
        %jit3A_443 = arith.constant 0 : i32
        %broadcast_in_dim3A_444 = vector.broadcast %jit3A_442 : i32 to vector<16xi32>
        %broadcast_in_dim3A_445 = vector.broadcast %jit3A_443 : i32 to vector<16xi32>
        %select_n3A_446 = arith.select %lt3A_441, %broadcast_in_dim3A_444, %broadcast_in_dim3A_445 : vector<16xi1>, vector<16xi32>
        %add3A_447 = arith.constant 31 : i32
        %add3A_448 = vector.broadcast %add3A_447 : i32 to vector<16xi32>
        %add3A_449 = arith.addi %select_n3A_446, %add3A_448 : vector<16xi32>
        %gather3A_450 = tpu.vector_load_idx %arg11[%add3A_449] : memref<128xf32, #tpu.memory_space<vmem>>[vector<16xi32>], vector<16xf32>,
        %lt3A_451 = arith.cmpf olt, %gather3A_450, %get3A_440 : vector<16xf32>
        %add3A_452 = arith.constant 32 : i32
        %add3A_453 = vector.broadcast %add3A_452 : i32 to vector<16xi32>
        %add3A_454 = arith.addi %select_n3A_446, %add3A_453 : vector<16xi32>
        %select_n3A_455 = arith.select %lt3A_451, %add3A_454, %select_n3A_446 : vector<16xi1>, vector<16xi32>
        %add3A_456 = arith.constant 15 : i32
        %add3A_457 = vector.broadcast %add3A_456 : i32 to vector<16xi32>
        %add3A_458 = arith.addi %select_n3A_455, %add3A_457 : vector<16xi32>
        %gather3A_459 = tpu.vector_load_idx %arg11[%add3A_458] : memref<128xf32, #tpu.memory_space<vmem>>[vector<16xi32>], vector<16xf32>,
        %lt3A_460 = arith.cmpf olt, %gather3A_459, %get3A_440 : vector<16xf32>
        %add3A_461 = arith.constant 16 : i32
        %add3A_462 = vector.broadcast %add3A_461 : i32 to vector<16xi32>
        %add3A_463 = arith.addi %select_n3A_455, %add3A_462 : vector<16xi32>
        %select_n3A_464 = arith.select %lt3A_460, %add3A_463, %select_n3A_455 : vector<16xi1>, vector<16xi32>
        %add3A_465 = arith.constant 7 : i32
        %add3A_466 = vector.broadcast %add3A_465 : i32 to vector<16xi32>
        %add3A_467 = arith.addi %select_n3A_464, %add3A_466 : vector<16xi32>
        %gather3A_468 = tpu.vector_load_idx %arg11[%add3A_467] : memref<128xf32, #tpu.memory_space<vmem>>[vector<16xi32>], vector<16xf32>,
        %lt3A_469 = arith.cmpf olt, %gather3A_468, %get3A_440 : vector<16xf32>
        %add3A_470 = arith.constant 8 : i32
        %add3A_471 = vector.broadcast %add3A_470 : i32 to vector<16xi32>
        %add3A_472 = arith.addi %select_n3A_464, %add3A_471 : vector<16xi32>
        %select_n3A_473 = arith.select %lt3A_469, %add3A_472, %select_n3A_464 : vector<16xi1>, vector<16xi32>
        %add3A_474 = arith.constant 3 : i32
        %add3A_475 = vector.broadcast %add3A_474 : i32 to vector<16xi32>
        %add3A_476 = arith.addi %select_n3A_473, %add3A_475 : vector<16xi32>
        %gather3A_477 = tpu.vector_load_idx %arg11[%add3A_476] : memref<128xf32, #tpu.memory_space<vmem>>[vector<16xi32>], vector<16xf32>,
        %lt3A_478 = arith.cmpf olt, %gather3A_477, %get3A_440 : vector<16xf32>
        %add3A_479 = arith.constant 4 : i32
        %add3A_480 = vector.broadcast %add3A_479 : i32 to vector<16xi32>
        %add3A_481 = arith.addi %select_n3A_473, %add3A_480 : vector<16xi32>
        %select_n3A_482 = arith.select %lt3A_478, %add3A_481, %select_n3A_473 : vector<16xi1>, vector<16xi32>
        %add3A_483 = arith.constant 1 : i32
        %add3A_484 = vector.broadcast %add3A_483 : i32 to vector<16xi32>
        %add3A_485 = arith.addi %select_n3A_482, %add3A_484 : vector<16xi32>
        %gather3A_486 = tpu.vector_load_idx %arg11[%add3A_485] : memref<128xf32, #tpu.memory_space<vmem>>[vector<16xi32>], vector<16xf32>,
        %lt3A_487 = arith.cmpf olt, %gather3A_486, %get3A_440 : vector<16xf32>
        %add3A_488 = arith.constant 2 : i32
        %add3A_489 = vector.broadcast %add3A_488 : i32 to vector<16xi32>
        %add3A_490 = arith.addi %select_n3A_482, %add3A_489 : vector<16xi32>
        %select_n3A_491 = arith.select %lt3A_487, %add3A_490, %select_n3A_482 : vector<16xi1>, vector<16xi32>
        %add3A_492 = arith.constant 0 : i32
        %add3A_493 = vector.broadcast %add3A_492 : i32 to vector<16xi32>
        %add3A_494 = arith.addi %select_n3A_491, %add3A_493 : vector<16xi32>
        %gather3A_495 = tpu.vector_load_idx %arg11[%add3A_494] : memref<128xf32, #tpu.memory_space<vmem>>[vector<16xi32>], vector<16xf32>,
        %lt3A_496 = arith.cmpf olt, %gather3A_495, %get3A_440 : vector<16xf32>
        %add3A_497 = arith.constant 1 : i32
        %add3A_498 = vector.broadcast %add3A_497 : i32 to vector<16xi32>
        %add3A_499 = arith.addi %select_n3A_491, %add3A_498 : vector<16xi32>
        %select_n3A_500 = arith.select %lt3A_496, %add3A_499, %select_n3A_491 : vector<16xi1>, vector<16xi32>
        %min3A_501 = arith.constant 127 : i32
        %min3A_502 = vector.broadcast %min3A_501 : i32 to vector<16xi32>
        %min3A_503 = arith.minsi %select_n3A_500, %min3A_502 : vector<16xi32>
        %gather3A_504 = tpu.vector_load_idx %arg11[%min3A_503] : memref<128xf32, #tpu.memory_space<vmem>>[vector<16xi32>], vector<16xf32>,
        %eq3A_505 = arith.constant 0 : i32
        %eq3A_506 = vector.broadcast %eq3A_505 : i32 to vector<16xi32>
        %eq3A_507 = arith.cmpi eq, %select_n3A_500, %eq3A_506 : vector<16xi32>
        %eq3A_508 = arith.constant 128 : i32
        %eq3A_509 = vector.broadcast %eq3A_508 : i32 to vector<16xi32>
        %eq3A_510 = arith.cmpi eq, %select_n3A_500, %eq3A_509 : vector<16xi32>
        %or3A_511 = arith.ori %eq3A_507, %eq3A_510 : vector<16xi1>
        %eq3A_512 = arith.cmpf oeq, %gather3A_504, %get3A_440 : vector<16xf32>
        %or3A_513 = arith.ori %or3A_511, %eq3A_512 : vector<16xi1>
        %ge3A_514 = arith.constant 0.000000e+00 : f32
        %ge3A_515 = vector.broadcast %ge3A_514 : f32 to vector<16xf32>
        %ge3A_516 = arith.cmpf oge, %get3A_440, %ge3A_515 : vector<16xf32>
        %and3A_517 = arith.andi %or3A_513, %ge3A_516 : vector<16xi1>
        %select_n3A_518 = arith.select %and3A_517, %get3A_440, %broadcast_in_dim3A_56 : vector<16xi1>, vector<16xf32>
        %min3A_519 = arith.minimumf %min3A_418, %select_n3A_518 : vector<16xf32>
        %sub3A_520 = arith.constant 1 : i32
        %sub3A_521 = vector.broadcast %sub3A_520 : i32 to vector<16xi32>
        %sub3A_522 = arith.subi %select_n3A_500, %sub3A_521 : vector<16xi32>
        %jit3A_523 = arith.constant 0 : i32
        %jit3A_524 = arith.constant 127 : i32
        %max3A_525 = vector.broadcast %jit3A_523 : i32 to vector<16xi32>
        %max3A_526 = arith.maxsi %max3A_525, %sub3A_522 : vector<16xi32>
        %min3A_527 = vector.broadcast %jit3A_524 : i32 to vector<16xi32>
        %min3A_528 = arith.minsi %min3A_527, %max3A_526 : vector<16xi32>
        %gather3A_529 = tpu.vector_load_idx %arg12[%min3A_528] : memref<128xf32, #tpu.memory_space<vmem>>[vector<16xi32>], vector<16xf32>,
        %mul3A_530 = arith.constant 16 : i32
        %mul3A_531 = arith.muli %add3A_436, %mul3A_530 : i32
        %swap3A_532 = arith.index_cast %mul3A_531 : i32 to index
        %swap3A_533 = tpu.vector_load %arg10[%swap3A_532] {strides = array<i32>} : memref<2000xf32, #tpu.memory_space<vmem>>, vector<16xf32>,
        tpu.vector_store %arg10[%swap3A_532], %gather3A_529 {strides = array<i32>} : memref<2000xf32, #tpu.memory_space<vmem>>, vector<16xf32>,
        %mul3A_534 = arith.constant 5 : i32
        %mul3A_535 = arith.muli %scan3A_136, %mul3A_534 : i32
        %add3A_536 = arith.constant 4 : i32
        %add3A_537 = arith.addi %mul3A_535, %add3A_536 : i32
        %mul3A_538 = arith.constant 16 : i32
        %mul3A_539 = arith.muli %add3A_537, %mul3A_538 : i32
        %get3A_540 = arith.index_cast %mul3A_539 : i32 to index
        %get3A_541 = tpu.vector_load %arg8[%get3A_540] {strides = array<i32>} : memref<2000xf32, #tpu.memory_space<vmem>>, vector<16xf32>,
        %lt3A_542 = arith.cmpf olt, %gather3A, %get3A_541 : vector<16xf32>
        %jit3A_543 = arith.constant 64 : i32
        %jit3A_544 = arith.constant 0 : i32
        %broadcast_in_dim3A_545 = vector.broadcast %jit3A_543 : i32 to vector<16xi32>
        %broadcast_in_dim3A_546 = vector.broadcast %jit3A_544 : i32 to vector<16xi32>
        %select_n3A_547 = arith.select %lt3A_542, %broadcast_in_dim3A_545, %broadcast_in_dim3A_546 : vector<16xi1>, vector<16xi32>
        %add3A_548 = arith.constant 31 : i32
        %add3A_549 = vector.broadcast %add3A_548 : i32 to vector<16xi32>
        %add3A_550 = arith.addi %select_n3A_547, %add3A_549 : vector<16xi32>
        %gather3A_551 = tpu.vector_load_idx %arg11[%add3A_550] : memref<128xf32, #tpu.memory_space<vmem>>[vector<16xi32>], vector<16xf32>,
        %lt3A_552 = arith.cmpf olt, %gather3A_551, %get3A_541 : vector<16xf32>
        %add3A_553 = arith.constant 32 : i32
        %add3A_554 = vector.broadcast %add3A_553 : i32 to vector<16xi32>
        %add3A_555 = arith.addi %select_n3A_547, %add3A_554 : vector<16xi32>
        %select_n3A_556 = arith.select %lt3A_552, %add3A_555, %select_n3A_547 : vector<16xi1>, vector<16xi32>
        %add3A_557 = arith.constant 15 : i32
        %add3A_558 = vector.broadcast %add3A_557 : i32 to vector<16xi32>
        %add3A_559 = arith.addi %select_n3A_556, %add3A_558 : vector<16xi32>
        %gather3A_560 = tpu.vector_load_idx %arg11[%add3A_559] : memref<128xf32, #tpu.memory_space<vmem>>[vector<16xi32>], vector<16xf32>,
        %lt3A_561 = arith.cmpf olt, %gather3A_560, %get3A_541 : vector<16xf32>
        %add3A_562 = arith.constant 16 : i32
        %add3A_563 = vector.broadcast %add3A_562 : i32 to vector<16xi32>
        %add3A_564 = arith.addi %select_n3A_556, %add3A_563 : vector<16xi32>
        %select_n3A_565 = arith.select %lt3A_561, %add3A_564, %select_n3A_556 : vector<16xi1>, vector<16xi32>
        %add3A_566 = arith.constant 7 : i32
        %add3A_567 = vector.broadcast %add3A_566 : i32 to vector<16xi32>
        %add3A_568 = arith.addi %select_n3A_565, %add3A_567 : vector<16xi32>
        %gather3A_569 = tpu.vector_load_idx %arg11[%add3A_568] : memref<128xf32, #tpu.memory_space<vmem>>[vector<16xi32>], vector<16xf32>,
        %lt3A_570 = arith.cmpf olt, %gather3A_569, %get3A_541 : vector<16xf32>
        %add3A_571 = arith.constant 8 : i32
        %add3A_572 = vector.broadcast %add3A_571 : i32 to vector<16xi32>
        %add3A_573 = arith.addi %select_n3A_565, %add3A_572 : vector<16xi32>
        %select_n3A_574 = arith.select %lt3A_570, %add3A_573, %select_n3A_565 : vector<16xi1>, vector<16xi32>
        %add3A_575 = arith.constant 3 : i32
        %add3A_576 = vector.broadcast %add3A_575 : i32 to vector<16xi32>
        %add3A_577 = arith.addi %select_n3A_574, %add3A_576 : vector<16xi32>
        %gather3A_578 = tpu.vector_load_idx %arg11[%add3A_577] : memref<128xf32, #tpu.memory_space<vmem>>[vector<16xi32>], vector<16xf32>,
        %lt3A_579 = arith.cmpf olt, %gather3A_578, %get3A_541 : vector<16xf32>
        %add3A_580 = arith.constant 4 : i32
        %add3A_581 = vector.broadcast %add3A_580 : i32 to vector<16xi32>
        %add3A_582 = arith.addi %select_n3A_574, %add3A_581 : vector<16xi32>
        %select_n3A_583 = arith.select %lt3A_579, %add3A_582, %select_n3A_574 : vector<16xi1>, vector<16xi32>
        %add3A_584 = arith.constant 1 : i32
        %add3A_585 = vector.broadcast %add3A_584 : i32 to vector<16xi32>
        %add3A_586 = arith.addi %select_n3A_583, %add3A_585 : vector<16xi32>
        %gather3A_587 = tpu.vector_load_idx %arg11[%add3A_586] : memref<128xf32, #tpu.memory_space<vmem>>[vector<16xi32>], vector<16xf32>,
        %lt3A_588 = arith.cmpf olt, %gather3A_587, %get3A_541 : vector<16xf32>
        %add3A_589 = arith.constant 2 : i32
        %add3A_590 = vector.broadcast %add3A_589 : i32 to vector<16xi32>
        %add3A_591 = arith.addi %select_n3A_583, %add3A_590 : vector<16xi32>
        %select_n3A_592 = arith.select %lt3A_588, %add3A_591, %select_n3A_583 : vector<16xi1>, vector<16xi32>
        %add3A_593 = arith.constant 0 : i32
        %add3A_594 = vector.broadcast %add3A_593 : i32 to vector<16xi32>
        %add3A_595 = arith.addi %select_n3A_592, %add3A_594 : vector<16xi32>
        %gather3A_596 = tpu.vector_load_idx %arg11[%add3A_595] : memref<128xf32, #tpu.memory_space<vmem>>[vector<16xi32>], vector<16xf32>,
        %lt3A_597 = arith.cmpf olt, %gather3A_596, %get3A_541 : vector<16xf32>
        %add3A_598 = arith.constant 1 : i32
        %add3A_599 = vector.broadcast %add3A_598 : i32 to vector<16xi32>
        %add3A_600 = arith.addi %select_n3A_592, %add3A_599 : vector<16xi32>
        %select_n3A_601 = arith.select %lt3A_597, %add3A_600, %select_n3A_592 : vector<16xi1>, vector<16xi32>
        %min3A_602 = arith.constant 127 : i32
        %min3A_603 = vector.broadcast %min3A_602 : i32 to vector<16xi32>
        %min3A_604 = arith.minsi %select_n3A_601, %min3A_603 : vector<16xi32>
        %gather3A_605 = tpu.vector_load_idx %arg11[%min3A_604] : memref<128xf32, #tpu.memory_space<vmem>>[vector<16xi32>], vector<16xf32>,
        %eq3A_606 = arith.constant 0 : i32
        %eq3A_607 = vector.broadcast %eq3A_606 : i32 to vector<16xi32>
        %eq3A_608 = arith.cmpi eq, %select_n3A_601, %eq3A_607 : vector<16xi32>
        %eq3A_609 = arith.constant 128 : i32
        %eq3A_610 = vector.broadcast %eq3A_609 : i32 to vector<16xi32>
        %eq3A_611 = arith.cmpi eq, %select_n3A_601, %eq3A_610 : vector<16xi32>
        %or3A_612 = arith.ori %eq3A_608, %eq3A_611 : vector<16xi1>
        %eq3A_613 = arith.cmpf oeq, %gather3A_605, %get3A_541 : vector<16xf32>
        %or3A_614 = arith.ori %or3A_612, %eq3A_613 : vector<16xi1>
        %ge3A_615 = arith.constant 0.000000e+00 : f32
        %ge3A_616 = vector.broadcast %ge3A_615 : f32 to vector<16xf32>
        %ge3A_617 = arith.cmpf oge, %get3A_541, %ge3A_616 : vector<16xf32>
        %and3A_618 = arith.andi %or3A_614, %ge3A_617 : vector<16xi1>
        %select_n3A_619 = arith.select %and3A_618, %get3A_541, %broadcast_in_dim3A_56 : vector<16xi1>, vector<16xf32>
        %min3A_620 = arith.minimumf %min3A_519, %select_n3A_619 : vector<16xf32>
        %sub3A_621 = arith.constant 1 : i32
        %sub3A_622 = vector.broadcast %sub3A_621 : i32 to vector<16xi32>
        %sub3A_623 = arith.subi %select_n3A_601, %sub3A_622 : vector<16xi32>
        %jit3A_624 = arith.constant 0 : i32
        %jit3A_625 = arith.constant 127 : i32
        %max3A_626 = vector.broadcast %jit3A_624 : i32 to vector<16xi32>
        %max3A_627 = arith.maxsi %max3A_626, %sub3A_623 : vector<16xi32>
        %min3A_628 = vector.broadcast %jit3A_625 : i32 to vector<16xi32>
        %min3A_629 = arith.minsi %min3A_628, %max3A_627 : vector<16xi32>
        %gather3A_630 = tpu.vector_load_idx %arg12[%min3A_629] : memref<128xf32, #tpu.memory_space<vmem>>[vector<16xi32>], vector<16xf32>,
        %mul3A_631 = arith.constant 16 : i32
        %mul3A_632 = arith.muli %add3A_537, %mul3A_631 : i32
        %swap3A_633 = arith.index_cast %mul3A_632 : i32 to index
        %swap3A_634 = tpu.vector_load %arg10[%swap3A_633] {strides = array<i32>} : memref<2000xf32, #tpu.memory_space<vmem>>, vector<16xf32>,
        tpu.vector_store %arg10[%swap3A_633], %gather3A_630 {strides = array<i32>} : memref<2000xf32, #tpu.memory_space<vmem>>, vector<16xf32>,
        scf.yield %min3A_620 : vector<16xf32>
      }
      %scan3A_125 = arith.constant 25 : i32
      %mul3A_126 = arith.constant 2000 : i32
      %mul3A_127 = arith.muli %add3A_109, %mul3A_126 : i32
      %add3A_128 = arith.addi %mul3A_2, %mul3A_127 : i32
      %dma_start3A_129 = tpu.memref_slice %arg5[%add3A_128] : memref<2048000xf32, #tpu.memory_space<hbm>> -> memref<2000xf32, #tpu.memory_space<hbm>>
      %dma_start3A_130 = tpu.memref_slice %arg5[%add3A_128] : memref<2048000xf32, #tpu.memory_space<hbm>> -> memref<2000xf32, #tpu.memory_space<hbm>>
      tpu.enqueue_dma source(%arg10 : memref<2000xf32, #tpu.memory_space<vmem>>) target(%dma_start3A_130 : memref<2000xf32, #tpu.memory_space<hbm>>) target_semaphore(%arg17 : memref<!tpu.dma_semaphore, #tpu.memory_space<semaphore_mem>>)
      %le3A_131 = arith.constant 14 : i32
      %le3A_132 = arith.cmpi sle, %scan3A_80, %le3A_131 : i32
      %convert_element_type3A_133 = arith.extui %le3A_132 : i1 to i32
      %cond3A_134 = arith.constant 0 : i32
      %cond3A_135 = arith.cmpi ne, %convert_element_type3A_133, %cond3A_134 : i32
      scf.if %cond3A_135 {
        %add3A_136 = arith.constant 2 : i32
        %add3A_137 = arith.addi %add3A_109, %add3A_136 : i32
        %mul3A_138 = arith.constant 2000 : i32
        %mul3A_139 = arith.muli %add3A_137, %mul3A_138 : i32
        %add3A_140 = arith.addi %mul3A_2, %mul3A_139 : i32
        %dma_start3A_141 = tpu.memref_slice %arg2[%add3A_140] : memref<2048000xf32, #tpu.memory_space<hbm>> -> memref<2000xf32, #tpu.memory_space<hbm>>
        %dma_start3A_142 = tpu.memref_slice %arg2[%add3A_140] : memref<2048000xf32, #tpu.memory_space<hbm>> -> memref<2000xf32, #tpu.memory_space<hbm>>
        tpu.enqueue_dma source(%dma_start3A_142 : memref<2000xf32, #tpu.memory_space<hbm>>) target(%arg8 : memref<2000xf32, #tpu.memory_space<vmem>>) target_semaphore(%arg15 : memref<!tpu.dma_semaphore, #tpu.memory_space<semaphore_mem>>)
      } else {
      }
      scf.yield %scan3A_124 : vector<16xf32>
    }
    %scan3A_70 = arith.constant 16 : i32
    %add3A_71 = arith.constant 60000 : i32
    %add3A_72 = arith.addi %mul3A_2, %add3A_71 : i32
    %dma_wait3A = tpu.memref_slice %arg5[%add3A_72] : memref<2048000xf32, #tpu.memory_space<hbm>> -> memref<2000xf32, #tpu.memory_space<hbm>>
    %dma_wait3A_73 = tpu.memref_slice %arg5[%add3A_72] : memref<2048000xf32, #tpu.memory_space<hbm>> -> memref<2000xf32, #tpu.memory_space<hbm>>
    tpu.wait_dma2 semaphore(%arg16 : memref<!tpu.dma_semaphore, #tpu.memory_space<semaphore_mem>>) src(%arg9 : memref<2000xf32, #tpu.memory_space<vmem>>) dst(%dma_wait3A_73 : memref<2000xf32, #tpu.memory_space<hbm>>)
    %add3A_74 = arith.constant 62000 : i32
    %add3A_75 = arith.addi %mul3A_2, %add3A_74 : i32
    %dma_wait3A_76 = tpu.memref_slice %arg5[%add3A_75] : memref<2048000xf32, #tpu.memory_space<hbm>> -> memref<2000xf32, #tpu.memory_space<hbm>>
    %dma_wait3A_77 = tpu.memref_slice %arg5[%add3A_75] : memref<2048000xf32, #tpu.memory_space<hbm>> -> memref<2000xf32, #tpu.memory_space<hbm>>
    tpu.wait_dma2 semaphore(%arg17 : memref<!tpu.dma_semaphore, #tpu.memory_space<semaphore_mem>>) src(%arg10 : memref<2000xf32, #tpu.memory_space<vmem>>) dst(%dma_wait3A_77 : memref<2000xf32, #tpu.memory_space<hbm>>)
    %swap3A_78 = arith.constant 0 : index
    %swap3A_79 = tpu.vector_load %arg13[%swap3A_78] {strides = array<i32>} : memref<16xf32, #tpu.memory_space<vmem>>, vector<16xf32>,
    tpu.vector_store %arg13[%swap3A_78], %scan3A_69 {strides = array<i32>} : memref<16xf32, #tpu.memory_space<vmem>>, vector<16xf32>,
    "tpu.region"() ({
      %run_scoped3A = tpu.sem_alloc : memref<!tpu.dma_semaphore, #tpu.memory_space<semaphore_mem>>
      %dma_start3A_80 = arith.constant 0 : i32
      %dma_start3A_81 = tpu.memref_slice %arg6[%add3A, %dma_start3A_80] : memref<32x16xf32, #tpu.memory_space<hbm>> -> memref<1x16xf32, #tpu.memory_space<hbm>>
      %dma_start3A_82 = tpu.memref_squeeze %dma_start3A_81 : memref<1x16xf32, #tpu.memory_space<hbm>> -> memref<16xf32, #tpu.memory_space<hbm>>
      %dma_start3A_83 = arith.constant 0 : i32
      %dma_start3A_84 = tpu.memref_slice %arg6[%add3A, %dma_start3A_83] : memref<32x16xf32, #tpu.memory_space<hbm>> -> memref<1x16xf32, #tpu.memory_space<hbm>>
      %dma_start3A_85 = tpu.memref_squeeze %dma_start3A_84 : memref<1x16xf32, #tpu.memory_space<hbm>> -> memref<16xf32, #tpu.memory_space<hbm>>
      tpu.enqueue_dma source(%arg13 : memref<16xf32, #tpu.memory_space<vmem>>) target(%dma_start3A_85 : memref<16xf32, #tpu.memory_space<hbm>>) target_semaphore(%run_scoped3A : memref<!tpu.dma_semaphore, #tpu.memory_space<semaphore_mem>>)
      %dma_wait3A_86 = arith.constant 0 : i32
      %dma_wait3A_87 = tpu.memref_slice %arg6[%add3A, %dma_wait3A_86] : memref<32x16xf32, #tpu.memory_space<hbm>> -> memref<1x16xf32, #tpu.memory_space<hbm>>
      %dma_wait3A_88 = tpu.memref_squeeze %dma_wait3A_87 : memref<1x16xf32, #tpu.memory_space<hbm>> -> memref<16xf32, #tpu.memory_space<hbm>>
      %dma_wait3A_89 = arith.constant 0 : i32
      %dma_wait3A_90 = tpu.memref_slice %arg6[%add3A, %dma_wait3A_89] : memref<32x16xf32, #tpu.memory_space<hbm>> -> memref<1x16xf32, #tpu.memory_space<hbm>>
      %dma_wait3A_91 = tpu.memref_squeeze %dma_wait3A_90 : memref<1x16xf32, #tpu.memory_space<hbm>> -> memref<16xf32, #tpu.memory_space<hbm>>
      tpu.wait_dma2 semaphore(%run_scoped3A : memref<!tpu.dma_semaphore, #tpu.memory_space<semaphore_mem>>) src(%arg13 : memref<16xf32, #tpu.memory_space<vmem>>) dst(%dma_wait3A_91 : memref<16xf32, #tpu.memory_space<hbm>>)
      tpu.yield
    }) : () -> ()
    return
  }
}

module attributes {stable_mosaic.version = 14 : i64} {
  func.func @body(%arg0: i32, %arg1: memref<4x128xf32, #tpu.memory_space<vmem>>, %arg2: memref<1x128xf32, #tpu.memory_space<vmem>>, %arg3: memref<1000x128xf32, #tpu.memory_space<vmem>>, %arg4: memref<1000x128xf32, #tpu.memory_space<vmem>>, %arg5: memref<1000x128xf32, #tpu.memory_space<vmem>>, %arg6: memref<1000x128xf32, #tpu.memory_space<vmem>>, %arg7: memref<1x1xf32, #tpu.memory_space<vmem>>) attributes {dimension_semantics = [#tpu.dimension_semantics<arbitrary>], iteration_bounds = array<i64: 16>, scalar_prefetch = 0 : i64, scratch_operands = 0 : i64, tpu.core_type = #tpu.core_type<tc>, window_params = [{pipeline_mode = #tpu.pipeline_mode<synchronous>, transform_indices = @transform_0, window_bounds = array<i64: 4, 128>}, {pipeline_mode = #tpu.pipeline_mode<synchronous>, transform_indices = @transform_1, window_bounds = array<i64: 1, 128>}, {transform_indices = @transform_2, window_bounds = array<i64: 1000, 128>}, {transform_indices = @transform_3, window_bounds = array<i64: 1000, 128>}, {transform_indices = @transform_4, window_bounds = array<i64: 1000, 128>}, {transform_indices = @transform_5, window_bounds = array<i64: 1000, 128>}, {pipeline_mode = #tpu.pipeline_mode<synchronous>, transform_indices = @transform_6, window_bounds = array<i64: 1, 1>}]} {
    %get3A = arith.constant 0 : index
    %get3A_0 = arith.constant 0 : index
    %get3A_1 = vector.load %arg1[%get3A, %get3A_0] : memref<4x128xf32, #tpu.memory_space<vmem>>, vector<4x128xf32>
    %reduce_min3A = vector.shape_cast %get3A_1 : vector<4x128xf32> to vector<1x4x128xf32>
    %reduce_min3A_2 = arith.constant dense<0x7F800000> : vector<1xf32>
    %reduce_min3A_3 = vector.multi_reduction <minimumf>, %reduce_min3A, %reduce_min3A_2 [1, 2] : vector<1x4x128xf32> to vector<1xf32>
    %reduce_min3A_4 = vector.shape_cast %reduce_min3A_3 : vector<1xf32> to vector<1x1x1xf32>
    %reduce_min3A_5 = vector.extract %reduce_min3A_4[0, 0, 0] : f32 from vector<1x1x1xf32>
    %get3A_6 = arith.constant 0 : index
    %get3A_7 = arith.constant 127 : index
    %get3A_8 = vector.load %arg2[%get3A_6, %get3A_7] : memref<1x128xf32, #tpu.memory_space<vmem>>, vector<1x1xf32>
    %get3A_9 = vector.extract %get3A_8[0, 0] : f32 from vector<1x1xf32>
    %max3A = arith.constant 0.00999999977 : f32
    %max3A_10 = arith.maximumf %get3A_9, %max3A : f32
    %get3A_11 = arith.constant 0 : index
    %get3A_12 = arith.constant 0 : index
    %get3A_13 = vector.load %arg5[%get3A_11, %get3A_12] : memref<1000x128xf32, #tpu.memory_space<vmem>>, vector<1000x128xf32>
    %jit3A = arith.constant 1.000000e-07 : f32
    %jit3A_14 = arith.constant 0.99999988 : f32
    %max3A_15 = vector.broadcast %jit3A : f32 to vector<1000x128xf32>
    %max3A_16 = arith.maximumf %max3A_15, %get3A_13 : vector<1000x128xf32>
    %min3A = vector.broadcast %jit3A_14 : f32 to vector<1000x128xf32>
    %min3A_17 = arith.minimumf %min3A, %max3A_16 : vector<1000x128xf32>
    %get3A_18 = arith.constant 0 : index
    %get3A_19 = arith.constant 0 : index
    %get3A_20 = vector.load %arg6[%get3A_18, %get3A_19] : memref<1000x128xf32, #tpu.memory_space<vmem>>, vector<1000x128xf32>
    %log3A = math.log %min3A_17 : vector<1000x128xf32>
    %mul3A = arith.mulf %get3A_20, %log3A : vector<1000x128xf32>
    %sub3A = arith.constant 1.000000e+00 : f32
    %sub3A_21 = vector.broadcast %sub3A : f32 to vector<1000x128xf32>
    %sub3A_22 = arith.subf %sub3A_21, %get3A_20 : vector<1000x128xf32>
    %sub3A_23 = arith.constant 1.000000e+00 : f32
    %sub3A_24 = vector.broadcast %sub3A_23 : f32 to vector<1000x128xf32>
    %sub3A_25 = arith.subf %sub3A_24, %min3A_17 : vector<1000x128xf32>
    %log3A_26 = math.log %sub3A_25 : vector<1000x128xf32>
    %mul3A_27 = arith.mulf %sub3A_22, %log3A_26 : vector<1000x128xf32>
    %add3A = arith.addf %mul3A, %mul3A_27 : vector<1000x128xf32>
    %neg3A = arith.constant 0.000000e+00 : f32
    %neg3A_28 = vector.broadcast %neg3A : f32 to vector<1000x128xf32>
    %neg3A_29 = arith.subf %neg3A_28, %add3A : vector<1000x128xf32>
    %get3A_30 = arith.constant 0 : index
    %get3A_31 = arith.constant 0 : index
    %get3A_32 = vector.load %arg4[%get3A_30, %get3A_31] : memref<1000x128xf32, #tpu.memory_space<vmem>>, vector<1000x128xf32>
    %lt3A = vector.broadcast %reduce_min3A_5 : f32 to vector<1000x128xf32>
    %lt3A_33 = arith.cmpf olt, %get3A_32, %lt3A : vector<1000x128xf32>
    %get3A_34 = arith.constant 0 : index
    %get3A_35 = arith.constant 0 : index
    %get3A_36 = vector.load %arg3[%get3A_34, %get3A_35] : memref<1000x128xf32, #tpu.memory_space<vmem>>, vector<1000x128xf32>
    %broadcast_in_dim3A = vector.broadcast %max3A_10 : f32 to vector<1000x128xf32>
    %select_n3A = arith.select %lt3A_33, %get3A_36, %broadcast_in_dim3A : vector<1000x128xi1>, vector<1000x128xf32>
    %mul3A_37 = arith.mulf %select_n3A, %neg3A_29 : vector<1000x128xf32>
    %reduce_sum3A = vector.shape_cast %mul3A_37 : vector<1000x128xf32> to vector<1x1000x128xf32>
    %reduce_sum3A_38 = arith.constant dense<0.000000e+00> : vector<1xf32>
    %reduce_sum3A_39 = vector.multi_reduction <add>, %reduce_sum3A, %reduce_sum3A_38 [1, 2] : vector<1x1000x128xf32> to vector<1xf32>
    %reduce_sum3A_40 = vector.shape_cast %reduce_sum3A_39 : vector<1xf32> to vector<1x1x1xf32>
    %reduce_sum3A_41 = vector.extract %reduce_sum3A_40[0, 0, 0] : f32 from vector<1x1x1xf32>
    %eq3A = arith.constant 0 : i32
    %eq3A_42 = arith.cmpi eq, %arg0, %eq3A : i32
    %convert_element_type3A = arith.extui %eq3A_42 : i1 to i32
    %cond3A = arith.constant 0 : i32
    %cond3A_43 = arith.cmpi ne, %convert_element_type3A, %cond3A : i32
    scf.if %cond3A_43 {
      %broadcast_in_dim3A_56 = arith.constant 0.000000e+00 : f32
      %broadcast_in_dim3A_57 = vector.broadcast %broadcast_in_dim3A_56 : f32 to vector<1x1xf32>
      %swap3A_58 = arith.constant 0 : index
      %swap3A_59 = arith.constant 0 : index
      %swap3A_60 = vector.load %arg7[%swap3A_58, %swap3A_59] : memref<1x1xf32, #tpu.memory_space<vmem>>, vector<1x1xf32>
      tpu.vector_store %arg7[%swap3A_58, %swap3A_59], %broadcast_in_dim3A_57 {strides = array<i32>} : memref<1x1xf32, #tpu.memory_space<vmem>>, vector<1x1xf32>,
    } else {
    }
    %get3A_44 = arith.constant 0 : index
    %get3A_45 = arith.constant 0 : index
    %get3A_46 = vector.load %arg7[%get3A_44, %get3A_45] : memref<1x1xf32, #tpu.memory_space<vmem>>, vector<1x1xf32>
    %add3A_47 = vector.broadcast %reduce_sum3A_41 : f32 to vector<1x1xf32>
    %add3A_48 = arith.addf %get3A_46, %add3A_47 : vector<1x1xf32>
    %swap3A = arith.constant 0 : index
    %swap3A_49 = arith.constant 0 : index
    %swap3A_50 = vector.load %arg7[%swap3A, %swap3A_49] : memref<1x1xf32, #tpu.memory_space<vmem>>, vector<1x1xf32>
    tpu.vector_store %arg7[%swap3A, %swap3A_49], %add3A_48 {strides = array<i32>} : memref<1x1xf32, #tpu.memory_space<vmem>>, vector<1x1xf32>,
    %eq3A_51 = arith.constant 15 : i32
    %eq3A_52 = arith.cmpi eq, %arg0, %eq3A_51 : i32
    %convert_element_type3A_53 = arith.extui %eq3A_52 : i1 to i32
    %cond3A_54 = arith.constant 0 : i32
    %cond3A_55 = arith.cmpi ne, %convert_element_type3A_53, %cond3A_54 : i32
    scf.if %cond3A_55 {
      %get3A_56 = arith.constant 0 : index
      %get3A_57 = arith.constant 0 : index
      %get3A_58 = vector.load %arg7[%get3A_56, %get3A_57] : memref<1x1xf32, #tpu.memory_space<vmem>>, vector<1x1xf32>
      %div3A = arith.constant 2.000000e+06 : f32
      %div3A_59 = vector.broadcast %div3A : f32 to vector<1x1xf32>
      %div3A_60 = arith.divf %get3A_58, %div3A_59 : vector<1x1xf32>
      %swap3A_61 = arith.constant 0 : index
      %swap3A_62 = arith.constant 0 : index
      %swap3A_63 = vector.load %arg7[%swap3A_61, %swap3A_62] : memref<1x1xf32, #tpu.memory_space<vmem>>, vector<1x1xf32>
      tpu.vector_store %arg7[%swap3A_61, %swap3A_62], %div3A_60 {strides = array<i32>} : memref<1x1xf32, #tpu.memory_space<vmem>>, vector<1x1xf32>,
    } else {
    }
    return
  }
  func.func @transform_0(%arg0: i32) -> (i32, i32) {
    %c0_i32 = arith.constant 0 : i32
    %c0_i32_0 = arith.constant 0 : i32
    %c0_i32_1 = arith.constant 0 : i32
    return %c0_i32, %c0_i32_0 : i32, i32
  }
  func.func @transform_1(%arg0: i32) -> (i32, i32) {
    %c0_i32 = arith.constant 0 : i32
    %c0_i32_0 = arith.constant 0 : i32
    %c0_i32_1 = arith.constant 0 : i32
    return %c0_i32, %c0_i32_0 : i32, i32
  }
  func.func @transform_2(%arg0: i32) -> (i32, i32) {
    %c0_i32 = arith.constant 0 : i32
    %c0_i32_0 = arith.constant 0 : i32
    return %arg0, %c0_i32 : i32, i32
  }
  func.func @transform_3(%arg0: i32) -> (i32, i32) {
    %c0_i32 = arith.constant 0 : i32
    %c0_i32_0 = arith.constant 0 : i32
    return %arg0, %c0_i32 : i32, i32
  }
  func.func @transform_4(%arg0: i32) -> (i32, i32) {
    %c0_i32 = arith.constant 0 : i32
    %c0_i32_0 = arith.constant 0 : i32
    return %arg0, %c0_i32 : i32, i32
  }
  func.func @transform_5(%arg0: i32) -> (i32, i32) {
    %c0_i32 = arith.constant 0 : i32
    %c0_i32_0 = arith.constant 0 : i32
    return %arg0, %c0_i32 : i32, i32
  }
  func.func @transform_6(%arg0: i32) -> (i32, i32) {
    %c0_i32 = arith.constant 0 : i32
    %c0_i32_0 = arith.constant 0 : i32
    %c0_i32_1 = arith.constant 0 : i32
    return %c0_i32, %c0_i32_0 : i32, i32
  }
}

</mosaic_0001>

<sc_bundles>
// kernel: kernel.4.cloned.1.call-start
scs
__scs_entry_jumppad:
0x0: {  	(pc) =	sbr.rel $0x88, $3  }
0x1: {  	(tag) =	ssettag $0x0;
	lr =	simm.s32 $0x1  }
0x2: {  	[smem:$0x3F9C] =	sst lr;
	_ =	strace $0xD0000000  }
0x3: {  	_ = 	snop  }
0x4: {  	_ = 	snop  }
0x5: {  	_ = 	snop  }
0x6: {  	_ = 	snop  }
0x7: {  	_ = 	snop  }
__scs_overlays_trampoline_lowered:
0x8: {  	[smem:$0x3FAB] =	sst s0  }
0x9: {  	[smem:$0x3FAC] =	sst s1  }
0xa: {  	[smem:$0x3FAD] =	sst s2  }
0xb: {  	[smem:$0x3FAE] =	sst s3  }
0xc: {  	[smem:$0x3FAF] =	sst s4  }
0xd: {  	[smem:$0x3FB0] =	sst s5  }
0xe: {  	[smem:$0x3FB1] =	sst s6  }
0xf: {  	[smem:$0x3FB2] =	sst s7  }
0x10: {  	[smem:$0x3FB3] =	sst s8  }
0x11: {  	[smem:$0x3FB4] =	sst s9;
	s0 =	simm.s32 @!p0 $0x0  }
0x12: {  	s1 =	sld [smem:$0x3F9A];
	s0 =	simm.s32 @p0 $0x1  }
0x13: {  	[smem:$0x3FB5] =	sst s0;
	s0 =	simm.s32 @!p1 $0x0  }
0x14: {  	s2 =	sld [smem:$0x3F99];
	s0 =	simm.s32 @p1 $0x1  }
0x15: {  	[smem:$0x3FB6] =	sst s0;
	s0 =	simm.s32 @!p2 $0x0  }
0x16: {  	s3 =	sld [smem:$0x3FDB];
	s0 =	simm.s32 @p2 $0x1  }
0x17: {  	s4 =	simm.s32 $0x1BF5;
	[smem:$0x3FB8] =	sst s0  }
0x18: {  	s0 =	sld [smem:$0x3F9B];
	_ =	swait.ge [sflag:s4], $0x0  }
0x19: {  	s7 =	sld [smem:$0x3F9C]  }
0x1a: {  	s8 =	sadd.s32 $0xFFFFE003, lr  }
0x1b: {  	s9 =	sadd.s32 $0xFFFFFEF7, lr;
	s5 =	simm.s32 $0xFFFFFFFF;
	p2 =	slt.u32 s8, $0xFFFFF086  }
0x1c: {  	p1 =	slt.u32 s9, $0xF7A;
	s5 =	simm.s32 @!p2 $0x0  }
0x1d: {  	s5 =	simm.s32 @p1 $0x1;
	p0 =	seq.s32 s7, s2  }
0x1e: {  	s7 =	smul.u32 @!p0 $0xF7A, s2;
	p2 =	seq.s32 @!p0 s5, $0x0  }
0x1f: {  	s9 =	smul.u32 $0xF7A, s1;
	s8 =	simm.s32 @!p0 $0x1BF5;
	p2 =	por !p2, p0  }
0x20: {  	[sflag:s8] =	ssyncset.s32 @!p0 $0xFFFFF086;
	s6 =	sadd.s32 @!p0 s3, s7;
	s7 =	simm.s32 @!p0 $0x108  }
0x21: {  	s3 =	sadd.s32 s3, s9;
	s6 =	sadd.s32 @!p0 $0x88, s6;
	s7 =	simm.s32 @p2 $0x1082  }
0x22: {  	[simem:s7], [sflag:s8] =	dma.local @!p0 [hbm:s6], $0xF7A  }
0x23: {  	s9 =	sor.u32 $0xD0000000, s2;
	s6 =	simm.s32 $0x108;
	_ =	swait.ge @!p0 [sflag:s8], $0x0  }
0x24: {  	s3 =	sadd.s32 $0x88, s3;
	s6 =	simm.s32 @!p1 $0x1082;
	[sflag:s4] =	ssyncset.s32 $0xFFFFF086  }
0x25: {  	[simem:s6], [sflag:s4] =	dma.local [hbm:s3], $0xF7A  }
0x26: {  	[smem:$0x3F9C] =	sst s1;
	(tag) =	ssettag s2;
	_ =	strace s9  }
0x27: {  	s1 =	sld [smem:$0x3FAC]  }
0x28: {  	s2 =	sld [smem:$0x3FAD]  }
0x29: {  	s4 =	sld [smem:$0x3FAF]  }
0x2a: {  	p0 =	seq.s32 s5, $0x0;
	s5 =	sld [smem:$0x3FB0]  }
0x2b: {  	s6 =	sld [smem:$0x3FB1]  }
0x2c: {  	s7 =	sld [smem:$0x3FB2]  }
0x2d: {  	s3 =	simm.s32 $0x108;
	s8 =	sld [smem:$0x3FB3]  }
0x2e: {  	s3 =	simm.s32 @!p0 $0x1082;
	s9 =	sld [smem:$0x3FB4]  }
0x2f: {  	lr =	sadd.s32 s0, s3;
	s0 =	sld [smem:$0x3FAB]  }
0x30: {  	s3 =	sld [smem:$0x3FAE]  }
0x31: {  	[smem:$0x3FB7] =	sst s10  }
0x32: {  	s10 =	sld [smem:$0x3FB5];
	_ =	sdelay $0x3  }
0x33: {  	p0 =	seq.s32 s10, $0x1;
	s10 =	sld [smem:$0x3FB7];
	_ =	sdelay $0x3  }
0x34: {  	[smem:$0x3FB7] =	sst s10  }
0x35: {  	s10 =	sld [smem:$0x3FB6];
	_ =	sdelay $0x3  }
0x36: {  	p1 =	seq.s32 s10, $0x1;
	s10 =	sld [smem:$0x3FB7];
	_ =	sdelay $0x3  }
0x37: {  	[smem:$0x3FB7] =	sst s10  }
0x38: {  	s10 =	sld [smem:$0x3FB8]  }
0x39: {  	_ = 	snop;
	(pc) =	sbr.ind lr, $3  }
0x3a: {  	_ = 	snop  }
0x3b: {  	_ = 	snop  }
0x3c: {  	p2 =	seq.s32 s10, $0x1;
	s10 =	sld [smem:$0x3FB7]  }
0x3d: {  	_ =	shalt  }
0x3e: {  	_ =	shalt  }
0x3f: {  	_ =	shalt  }
0x40: {  	_ =	shalt  }
0x41: {  	_ =	shalt  }
0x42: {  	_ =	shalt  }
0x43: {  	_ =	shalt  }
0x44: {  	_ =	shalt  }
0x45: {  	_ =	shalt  }
0x46: {  	_ =	shalt  }
0x47: {  	_ =	shalt  }
0x48: {  	_ =	shalt  }
0x49: {  	_ =	shalt  }
0x4a: {  	_ =	shalt  }
0x4b: {  	_ =	shalt  }
0x4c: {  	_ =	shalt  }
0x4d: {  	_ =	shalt  }
0x4e: {  	_ =	shalt  }
0x4f: {  	_ =	shalt  }
0x50: {  	_ =	shalt  }
0x51: {  	_ =	shalt  }
0x52: {  	_ =	shalt  }
0x53: {  	_ =	shalt  }
0x54: {  	_ =	shalt  }
0x55: {  	_ =	shalt  }
0x56: {  	_ =	shalt  }
0x57: {  	_ =	shalt  }
0x58: {  	_ =	shalt  }
0x59: {  	_ =	shalt  }
0x5a: {  	_ =	shalt  }
0x5b: {  	_ =	shalt  }
0x5c: {  	_ =	shalt  }
0x5d: {  	_ =	shalt  }
0x5e: {  	_ =	shalt  }
0x5f: {  	_ =	shalt  }
0x60: {  	_ =	shalt  }
0x61: {  	_ =	shalt  }
0x62: {  	_ =	shalt  }
0x63: {  	_ =	shalt  }
0x64: {  	_ =	shalt  }
0x65: {  	_ =	shalt  }
0x66: {  	_ =	shalt  }
0x67: {  	_ =	shalt  }
0x68: {  	_ =	shalt  }
0x69: {  	_ =	shalt  }
0x6a: {  	_ =	shalt  }
0x6b: {  	_ =	shalt  }
0x6c: {  	_ =	shalt  }
0x6d: {  	_ =	shalt  }
0x6e: {  	_ =	shalt  }
0x6f: {  	_ =	shalt  }
0x70: {  	_ =	shalt  }
0x71: {  	_ =	shalt  }
0x72: {  	_ =	shalt  }
0x73: {  	_ =	shalt  }
0x74: {  	_ =	shalt  }
0x75: {  	_ =	shalt  }
0x76: {  	_ =	shalt  }
0x77: {  	_ =	shalt  }
0x78: {  	_ =	shalt  }
0x79: {  	_ =	shalt  }
0x7a: {  	_ =	shalt  }
0x7b: {  	_ =	shalt  }
0x7c: {  	_ =	shalt  }
0x7d: {  	_ =	shalt  }
0x7e: {  	_ =	shalt  }
0x7f: {  	_ =	shalt  }
0x80: {  	_ =	shalt  }
0x81: {  	_ =	shalt  }
0x82: {  	_ =	shalt  }
0x83: {  	_ =	shalt  }
0x84: {  	_ =	shalt  }
0x85: {  	_ =	shalt  }
0x86: {  	_ =	shalt  }
0x87: {  	_ =	shalt  }
.Lfunc_end0:
.L_simem_size_0:
called_computation_lowered:
.L_overlay_start_0:
0x88: {  	s2 =	sld [smem:$0x3FD9]  }
0x89: {  	s3 =	sld [smem:$0x3FFE];
	_ =	sdelay $0x1  }
0x8a: {  	s1 =	srdreg.scid  }
0x8b: {  	s0 =	sand.u32 $0x1, s1  }
0x8c: {  	s17 =	sshll.u32 s0, $0xA;
	s2 =	sadd.s32 s3, s2  }
0x8d: {  	s2 =	sadd.s32 s2, s17  }
0x8e: {  	[smem:$0x3FC3] =	sst s2  }
0x8f: {  	_ = 	snop  }
0x90: {  	s2 =	sld [smem:$0x3FC7]  }
0x91: {  	s18 =	sld [smem:$0x3FC6];
	(tm) =	ssettm $0x1  }
0x92: {  	s4 =	sld [smem:$0x3FFB];
	_ =	sdelay $0x3  }
0x93: {  	_ =	strace s4  }
0x94: {  	s4 =	sld [smem:$0x3FFC];
	_ =	sdelay $0x3  }
0x95: {  	_ =	strace s4  }
0x96: {  	s4 =	sld [smem:$0x3FFD];
	_ =	sdelay $0x3  }
0x97: {  	_ =	strace s4  }
0x98: {  	_ =	strace $0x8FFFFFFF  }
0x99: {  	s19 =	sld [smem:$0x3FDB];
	_ =	sdelay $0x1  }
0x9a: {  	s5 =	simm.s32 $_scs_section_size  }
0x9b: {  	s6 =	simm.s32 $_size__tile_overlayer_lowered;
	s7 =	simm.s32 $_tile_overlayer_lowered  }
0x9c: {  	s22 =	simm.s32 $0x1BFF;
	s21 =	sshll.u32 s7, $0x1;
	s4 =	sadd.s32 s5, s19  }
0x9d: {  	s8 =	simm.s32 $0x0;
	s20 =	sshll.u32 s6, $0x1;
	s6 =	sadd.s32 s21, s4  }
0x9e: {  	[timem:s8], [sflag:s22] =	dma.local [hbm:s6], s20  }
0x9f: {  	_ =	swait.ge [sflag:s22], s20  }
0xa0: {  	s5 =	ssub.s32 $0x0, s20;
	[sflag:s22] =	ssyncset.done $0x0  }
0xa1: {  	[sflag:s22] =	ssyncadd.s32 s5;
	_ =	sdelay $0x1  }
0xa2: {  	s23 =	simm.s32 $0x1B8B  }
0xa3: {  	_ =	swait.ge [sflag:s23], $0x1  }
0xa4: {  	[sflag:s23] =	ssyncset.done $0x0  }
0xa5: {  	s25 =	simm.s32 $0x1B8E;
	s24 =	sld [smem:$0x3FFE];
	[sflag:s23] =	ssyncadd.s32 $0xFFFFFFFF  }
0xa6: {  	s26 =	simm.s32 $execute0_lowered;
	[smem:$0x3FD2] =	sst s25  }
0xa7: {  	s6 =	sshll.u32 s26, $0x1;
	_ =	strace $0x80000046;
	[dreg:$0x1] =	wrdreg $0xFFFFFFFF  }
0xa8: {  	s28 =	simm.s32 $_size_execute0_lowered;
	s4 =	sadd.s32 s4, s6;
	[dreg:$0x0] =	wrdreg $0x0  }
0xa9: {  	s6 =	sshll.u32 s28, $0x1;
	[dreg:$0x2] =	wrdreg s4  }
0xaa: {  	[dreg:$0x3] =	wrdreg s6  }
0xab: {  	[dreg:$0x4] =	wrdreg $0xC0  }
0xac: {  	_ =	task [dreg:s8], $0x5FFFF  }
0xad: {  	[dreg:$0x1] =	wrdreg $0xFFFFFFFF  }
0xae: {  	[dreg:$0x0] =	wrdreg $0x60  }
0xaf: {  	[dreg:$0x2] =	wrdreg s24  }
0xb0: {  	[dreg:$0x3] =	wrdreg s18  }
0xb1: {  	[dreg:$0x4] =	wrdreg s2  }
0xb2: {  	[dreg:$0x5] =	wrdreg $0x9  }
0xb3: {  	_ =	task.clear_ibuf [dreg:s8], $0x6FFFF;
	_ =	strace $0x90000046  }
0xb4: {  	s29 =	simm.s32 $0x9;
	_ =	strace $0x80000048  }
0xb5: {  	_ =	swait.ge [sflag:s29], $0x1  }
0xb6: {  	[sflag:s29] =	ssyncadd.s32 $0xFFFFFFFF  }
0xb7: {  	_ =	strace $0x90000048  }
0xb8: {  	_ =	sfence  }
0xb9: {  	s30 =	sld [smem:$0x0];
	_ =	sdelay $0x2  }
0xba: {  	s31 =	sshll.u32 s1, $0xD;
	s1 =	sshrl.u32 s1, $0x2  }
0xbb: {  	s3 =	sand.u32 $0x4000, s31;
	s1 =	sadd.s32 s1, s30  }
0xbc: {  	s0 =	sor.u32 s3, s0;
	s1 =	sshll.u32 s1, $0x11  }
0xbd: {  	s0 =	sor.u32 s1, s0  }
0xbe: {  	s0 =	sadd.s32 $0x8F2B, s0  }
0xbf: {  	[sflag:s0] =	ssyncadd.remote.s32 $0x1  }
0xc0: {  	_ =	sfence.sel $0xFFFF  }
0xc1: {  	[dreg:$0x0] =	wrdreg $0xFFFFFFFF;
	(pc) =	sbr.abs _section_cstart, $3  }
0xc2: {  	[dreg:$0x1] =	wrdreg $0xFFFFFFFF  }
0xc3: {  	_ =	task.clear_ibuf [dreg:s8], $0x2FFFF;
	_ =	strace $0x9FFFFFFF  }
0xc4: {  	(tm) =	ssettm $0x7FFFFFFF  }
0xc5: {  	_ =	shalt  }
tec
execute0_lowered:
.L_overlay_start_1:
0x0: {  	(tag) =	ssettag $0x1  }
0x1: {  	s0 =	rddreg [dreg:$0x0]  }
0x2: {  	s1 =	rddreg [dreg:$0x1]  }
0x3: {  	s2 =	rddreg [dreg:$0x2]  }
0x4: {  	s3 =	simm.s32 $0x0;
	s4 =	srdreg.scid;
	s15 =	simm.s32 $0x2000  }
0x5: {  	s16 =	simm.s32 $0x5;
	s17 =	simm.s32 $0x2080;
	s18 =	simm.s32 $0x800  }
0x6: {  	s19 =	simm.s32 $0x1;
	s20 =	simm.s32 $0x1000;
	s21 =	simm.s32 $0x2  }
0x7: {  	s22 =	simm.s32 $0x1800;
	s23 =	simm.s32 $0x3;
	s24 =	simm.s32 $0x4  }
0x8: {  	s25 =	simm.s32 $0x2100;
	s26 =	simm.s32 $0x0;
	[smem:$0x7FF] =	sst s3  }
0x9: {  	s6 =	sand.u32 $0x1, s4;
	s5 =	sadd.s32 $0x1600, s0;
	s4 =	stileid.u32  }
0xa: {  	_ =	strace $0x80000047;
	s7 =	sshll.u32 s6, $0x4;
	s8 =	sshll.u32 s4, $0x4  }
0xb: {  	s9 =	ssub.s32 $0x2, s6;
	s10 =	sor.u32 s4, s7;
	s8 =	sand.u32 $0x70, s8  }
0xc: {  	s11 =	sshrl.u32 s9, $0x1;
	s7 =	sadd.s32 $0x40000, s0;
	s6 =	smul.u32 $0xFA00, s10  }
.Ltmp0:
0xd: {  	s14 =	ssub.s32 s9, s11;
	s10 =	sshll.u32 s10, $0x4;
	(pc) =	sbr.rel .LBB2_1-.Ltmp0, $4  }
0xe: {  	s0 =	sadd.s32 s8, s0;
	s12 =	sand.u32 $0x180, s10;
	s14 =	smax.u32 s14, $0x1  }
0xf: {  	s30 =	sshrl.u32 s6, $0x3;
	s8 =	sadd.s32 $0x7D0, s6;
	s11 =	sadd.s32 $0xFA0, s6  }
0x10: {  	s0 =	sadd.s32 s12, s0;
	s12 =	sadd.s32 $0x1770, s6;
	s31 =	sshrl.u32 s8, $0x3  }
0x11: {  	v0 =	vimm.s32 $0x3F;
	v1 =	vimm.s32 $0x0;
	s9 =	sadd.s32 s5, s30;
	s13 =	sadd.s32 $0x3FE00, s0;
	s10 =	sadd.s32 s5, s31  }
.LBB2_8:
0x12: {  	_ =	swait.ge [sflag:s23], $0x7D0  }
0x13: {  	[sflag:s23] =	ssyncset.done $0x0  }
0x14: {  	[sflag:s23] =	ssyncadd.s32 $0xFFFFF830  }
0x15: {  	_ =	swait.ge [sflag:s24], $0x7D0  }
0x16: {  	s26 =	sadd.s32 $0x1, s26;
	[sflag:s24] =	ssyncset.done $0x0  }
0x17: {  	p0 =	sne.s32 s26, s14;
	[sflag:s24] =	ssyncadd.s32 $0xFFFFF830  }
.Ltmp1:
0x18: {  	[tilespmem:$0x2100] =	vst v3;
	(pc) =	sbr.rel @!p0 .LBB2_9-.Ltmp1, $4  }
0x19: {  	[hbm4b:s13+s3] =	stream.linear.scatter [tilespmem:s25], [sflag:$0x5], $0x80, $0x38;
	[tilespmem:$0x2180] =	vst v63  }
0x1a: {  	_ =	swait.ge [sflag:s16], $0x80  }
0x1b: {  	[sflag:s16] =	ssyncset.done $0x0  }
0x1c: {  	[sflag:s16] =	ssyncadd.s32 $0xFFFFFF80  }
.LBB2_1:
0x1d: {  	[tilespmem:s15], [sflag:$0x5] =	stream.linear.gather [hbm4b:s1+s3], $0x80, $0x38;
	[tilespmem:$0x2180] =	vst v63  }
0x1e: {  	_ =	swait.ge [sflag:s16], $0x80  }
0x1f: {  	[sflag:s16] =	ssyncset.done $0x0  }
0x20: {  	[sflag:s16] =	ssyncadd.s32 $0xFFFFFF80  }
0x21: {  	[tilespmem:s17], [sflag:$0x5] =	stream.linear.gather [hbm4b:s2+s3], $0x80, $0x38;
	[tilespmem:$0x2180] =	vst v63  }
0x22: {  	_ =	swait.ge [sflag:s16], $0x80  }
0x23: {  	[sflag:s16] =	ssyncset.done $0x0  }
0x24: {  	[sflag:s16] =	ssyncadd.s32 $0xFFFFFF80  }
0x25: {  	v2 =	vld [tilespmem:$0x2080]  }
0x26: {  	v3 =	vld [tilespmem:$0x2090]  }
0x27: {  	v4 =	vld [tilespmem:$0x20A0]  }
0x28: {  	v5 =	vld [tilespmem:$0x20B0]  }
0x29: {  	v6 =	vld [tilespmem:$0x20C0]  }
0x2a: {  	v7 =	vld [tilespmem:$0x20D0];
	v2 =	vmax.f32 v2, $9.999999770e-03  }
0x2b: {  	[tilespmem:$0x2080] =	vst v2;
	v2 =	vmax.f32 v3, $9.999999770e-03;
	v3 =	vld [tilespmem:$0x20E0]  }
0x2c: {  	[tilespmem:$0x2090] =	vst v2;
	v2 =	vmax.f32 v4, $9.999999770e-03;
	v4 =	vld [tilespmem:$0x20F0]  }
0x2d: {  	[tilespmem:$0x20A0] =	vst v2;
	v2 =	vmax.f32 v5, $9.999999770e-03  }
0x2e: {  	[tilespmem:$0x20B0] =	vst v2;
	v2 =	vmax.f32 v6, $9.999999770e-03  }
0x2f: {  	[tilespmem:$0x20C0] =	vst v2;
	v2 =	vmax.f32 v7, $9.999999770e-03  }
0x30: {  	[tilespmem:$0x20D0] =	vst v2;
	v2 =	vmax.f32 v3, $9.999999770e-03  }
0x31: {  	[tilespmem:$0x20E0] =	vst v2;
	v2 =	vmax.f32 v4, $9.999999770e-03  }
0x32: {  	[tilespmem:$0x20F0] =	vst v2  }
0x33: {  	v2 =	vld.idx.msk [tilespmem:v0+s15+$0x0], $0xffff;
	[tilespmem:s3], [sflag:$0x1] =	stream.linear.gather [hbm4b:s9+s3], $0x7D0, $0x38  }
0x34: {  	s28 =	simm.s32 $0x0  }
0x35: {  	v3 =	vimm.f32 $+Inf;
	[tilespmem:s18], [sflag:$0x2] =	stream.linear.gather [hbm4b:s10+s3], $0x7D0, $0x38;
	[tilespmem:$0x2180] =	vst v63  }
.LBB2_2:
0x36: {  	_ =	swait.ge [sflag:s19], $0x7D0  }
0x37: {  	p0 =	seq.s32 s28, $0x0;
	[sflag:s19] =	ssyncset.done $0x0  }
0x38: {  	s0 =	simm.s32 @!p0 $0x3;
	[sflag:s19] =	ssyncadd.s32 $0xFFFFF830  }
0x39: {  	s29 =	smul.u32 $0xFA0, s28;
	_ =	swait.ge @!p0 [sflag:s0], $0x7D0  }
0x3a: {  	[sflag:s0] =	ssyncset.done @!p0 $0x0  }
0x3b: {  	s31 =	simm.s32 $0x0;
	s30 =	sadd.s32 s6, s29;
	[sflag:s0] =	ssyncadd.s32 @!p0 $0xFFFFF830  }
.LBB2_3:
0x3c: {  	s0 =	sshra.s32 s31, $0x2  }
0x3d: {  	v4 =	vld [tilespmem:s0+$0x0];
	_ =	sdelay $0x4  }
0x3e: {  	vm0 =	vlt.f32 v2, v4  }
0x3f: {  	v5 =	vsel vm0, $0x40, v1  }
0x40: {  	v6 =	vor.u32 $0x1F, v5;
	_ =	sdelay $0x4  }
0x41: {  	v6 =	vld.idx.msk [tilespmem:v6+s15+$0x0], $0xffff;
	_ =	sdelay $0x4  }
0x42: {  	v25 =	vor.u32 $0x20, v5;
	vm15 =	vlt.f32 v6, v4  }
0x43: {  	v5 =	vsel vm15, v25, v5  }
0x44: {  	v6 =	vor.u32 $0xF, v5;
	_ =	sdelay $0x4  }
0x45: {  	v6 =	vld.idx.msk [tilespmem:v6+s15+$0x0], $0xffff;
	_ =	sdelay $0x4  }
0x46: {  	v26 =	vor.u32 $0x10, v5;
	vm4 =	vlt.f32 v6, v4  }
0x47: {  	v5 =	vsel vm4, v26, v5  }
0x48: {  	v6 =	vor.u32 $0x7, v5;
	_ =	sdelay $0x4  }
0x49: {  	v6 =	vld.idx.msk [tilespmem:v6+s15+$0x0], $0xffff;
	_ =	sdelay $0x4  }
0x4a: {  	v27 =	vor.u32 $0x8, v5;
	vm5 =	vlt.f32 v6, v4  }
0x4b: {  	v5 =	vsel vm5, v27, v5  }
0x4c: {  	v6 =	vadd.s32 $0x3, v5;
	_ =	sdelay $0x4  }
0x4d: {  	v6 =	vld.idx.msk [tilespmem:v6+s15+$0x0], $0xffff;
	_ =	sdelay $0x4  }
0x4e: {  	v28 =	vadd.s32 $0x4, v5;
	vm6 =	vlt.f32 v6, v4  }
0x4f: {  	v5 =	vsel vm6, v28, v5  }
0x50: {  	v6 =	vadd.s32 $0x1, v5;
	_ =	sdelay $0x4  }
0x51: {  	v6 =	vld.idx.msk [tilespmem:v6+s15+$0x0], $0xffff;
	_ =	sdelay $0x4  }
0x52: {  	v29 =	vadd.s32 $0x2, v5;
	vm7 =	vlt.f32 v6, v4  }
0x53: {  	v5 =	vsel vm7, v29, v5;
	_ =	sdelay $0x4  }
0x54: {  	v6 =	vld.idx.msk [tilespmem:v5+s15+$0x0], $0xffff;
	_ =	sdelay $0x4  }
0x55: {  	vm8 =	vlt.f32 v6, v4  }
0x56: {  	v6 =	vsel vm8, $0x1, v1  }
0x57: {  	v6 =	vadd.s32 v6, v5  }
0x58: {  	v5 =	vmax.u32 v6, $0x1  }
0x59: {  	v7 =	vmin.u32 v5, $0x80;
	v5 =	vld [tilespmem:s0+$0x10]  }
0x5a: {  	v7 =	vadd.s32 $0xFFFFFFFF, v7;
	_ =	sdelay $0x3  }
0x5b: {  	vm9 =	vlt.f32 v2, v5  }
0x5c: {  	v8 =	vmin.u32 v6, $0x7F;
	v9 =	vld.idx.msk [tilespmem:v7+s17+$0x0], $0xffff;
	v10 =	vsel vm9, $0x40, v1  }
0x5d: {  	v11 =	vor.u32 $0x1F, v10;
	_ =	sdelay $0x3  }
0x5e: {  	v30 =	vld.idx.msk [tilespmem:v8+s15+$0x0], $0xffff;
	[tilespmem:s0+$0x1000] =	vst v9  }
0x5f: {  	v31 =	vld.idx.msk [tilespmem:v11+s15+$0x0], $0xffff;
	_ =	sdelay $0x4  }
0x60: {  	v32 =	vor.u32 $0x20, v10;
	vm10 =	vlt.f32 v31, v5  }
0x61: {  	v8 =	vsel vm10, v32, v10  }
0x62: {  	v33 =	vor.u32 $0xF, v8;
	_ =	sdelay $0x4  }
0x63: {  	v9 =	vld.idx.msk [tilespmem:v33+s15+$0x0], $0xffff;
	_ =	sdelay $0x4  }
0x64: {  	v34 =	vor.u32 $0x10, v8;
	vm11 =	vlt.f32 v9, v5  }
0x65: {  	v8 =	vsel vm11, v34, v8  }
0x66: {  	v9 =	vor.u32 $0x7, v8;
	_ =	sdelay $0x4  }
0x67: {  	v9 =	vld.idx.msk [tilespmem:v9+s15+$0x0], $0xffff;
	_ =	sdelay $0x4  }
0x68: {  	v35 =	vor.u32 $0x8, v8;
	vm12 =	vlt.f32 v9, v5  }
0x69: {  	v8 =	vsel vm12, v35, v8  }
0x6a: {  	v9 =	vadd.s32 $0x3, v8;
	_ =	sdelay $0x4  }
0x6b: {  	v9 =	vld.idx.msk [tilespmem:v9+s15+$0x0], $0xffff;
	_ =	sdelay $0x4  }
0x6c: {  	v36 =	vadd.s32 $0x4, v8;
	vm13 =	vlt.f32 v9, v5  }
0x6d: {  	v8 =	vsel vm13, v36, v8  }
0x6e: {  	v9 =	vadd.s32 $0x1, v8;
	_ =	sdelay $0x4  }
0x6f: {  	v9 =	vld.idx.msk [tilespmem:v9+s15+$0x0], $0xffff;
	_ =	sdelay $0x4  }
0x70: {  	v37 =	vadd.s32 $0x2, v8;
	vm14 =	vlt.f32 v9, v5  }
0x71: {  	v8 =	vsel vm14, v37, v8;
	_ =	sdelay $0x4  }
0x72: {  	v9 =	vld.idx.msk [tilespmem:v8+s15+$0x0], $0xffff;
	_ =	sdelay $0x4  }
0x73: {  	vm15 =	vlt.f32 v9, v5  }
0x74: {  	v9 =	vsel vm15, $0x1, v1  }
0x75: {  	v9 =	vadd.s32 v9, v8  }
0x76: {  	v8 =	vmax.u32 v9, $0x1  }
0x77: {  	v39 =	vld [tilespmem:s0+$0x20];
	v38 =	vmin.u32 v8, $0x80  }
0x78: {  	v10 =	vadd.s32 $0xFFFFFFFF, v38;
	_ =	sdelay $0x3  }
0x79: {  	vm4 =	vlt.f32 v2, v39  }
0x7a: {  	v12 =	vsel vm4, $0x40, v1;
	v40 =	vmin.u32 v9, $0x7F;
	v10 =	vld.idx.msk [tilespmem:v10+s17+$0x0], $0xffff  }
0x7b: {  	v13 =	vor.u32 $0x1F, v12;
	_ =	sdelay $0x3  }
0x7c: {  	v11 =	vld.idx.msk [tilespmem:v40+s15+$0x0], $0xffff;
	[tilespmem:s0+$0x1010] =	vst v10  }
0x7d: {  	v10 =	vld.idx.msk [tilespmem:v13+s15+$0x0], $0xffff;
	_ =	sdelay $0x4  }
0x7e: {  	v41 =	vor.u32 $0x20, v12;
	vm5 =	vlt.f32 v10, v39  }
0x7f: {  	v10 =	vsel vm5, v41, v12  }
0x80: {  	v12 =	vor.u32 $0xF, v10;
	_ =	sdelay $0x4  }
0x81: {  	v12 =	vld.idx.msk [tilespmem:v12+s15+$0x0], $0xffff;
	_ =	sdelay $0x4  }
0x82: {  	v42 =	vor.u32 $0x10, v10;
	vm6 =	vlt.f32 v12, v39  }
0x83: {  	v10 =	vsel vm6, v42, v10  }
0x84: {  	v12 =	vor.u32 $0x7, v10;
	_ =	sdelay $0x4  }
0x85: {  	v12 =	vld.idx.msk [tilespmem:v12+s15+$0x0], $0xffff;
	_ =	sdelay $0x4  }
0x86: {  	v43 =	vor.u32 $0x8, v10;
	vm7 =	vlt.f32 v12, v39  }
0x87: {  	v10 =	vsel vm7, v43, v10  }
0x88: {  	v12 =	vadd.s32 $0x3, v10;
	_ =	sdelay $0x4  }
0x89: {  	v12 =	vld.idx.msk [tilespmem:v12+s15+$0x0], $0xffff;
	_ =	sdelay $0x4  }
0x8a: {  	v44 =	vadd.s32 $0x4, v10;
	vm8 =	vlt.f32 v12, v39  }
0x8b: {  	v10 =	vsel vm8, v44, v10  }
0x8c: {  	v12 =	vadd.s32 $0x1, v10;
	_ =	sdelay $0x4  }
0x8d: {  	v12 =	vld.idx.msk [tilespmem:v12+s15+$0x0], $0xffff;
	_ =	sdelay $0x4  }
0x8e: {  	v45 =	vadd.s32 $0x2, v10;
	vm9 =	vlt.f32 v12, v39  }
0x8f: {  	v10 =	vsel vm9, v45, v10;
	_ =	sdelay $0x4  }
0x90: {  	v12 =	vld.idx.msk [tilespmem:v10+s15+$0x0], $0xffff;
	_ =	sdelay $0x4  }
0x91: {  	vm10 =	vlt.f32 v12, v39  }
0x92: {  	v12 =	vsel vm10, $0x1, v1  }
0x93: {  	v10 =	vadd.s32 v12, v10  }
0x94: {  	v12 =	vmax.u32 v10, $0x1  }
0x95: {  	v46 =	vld [tilespmem:s0+$0x30];
	v12 =	vmin.u32 v12, $0x80  }
0x96: {  	v12 =	vadd.s32 $0xFFFFFFFF, v12;
	_ =	sdelay $0x3  }
0x97: {  	vm11 =	vlt.f32 v2, v46  }
0x98: {  	v15 =	vsel vm11, $0x40, v1;
	v14 =	vmin.u32 v10, $0x7F;
	v12 =	vld.idx.msk [tilespmem:v12+s17+$0x0], $0xffff  }
0x99: {  	v16 =	vor.u32 $0x1F, v15;
	_ =	sdelay $0x3  }
0x9a: {  	v14 =	vld.idx.msk [tilespmem:v14+s15+$0x0], $0xffff;
	[tilespmem:s0+$0x1020] =	vst v12  }
0x9b: {  	v12 =	vld.idx.msk [tilespmem:v16+s15+$0x0], $0xffff;
	_ =	sdelay $0x4  }
0x9c: {  	v47 =	vor.u32 $0x20, v15;
	vm12 =	vlt.f32 v12, v46  }
0x9d: {  	v12 =	vsel vm12, v47, v15  }
0x9e: {  	v15 =	vor.u32 $0xF, v12;
	_ =	sdelay $0x4  }
0x9f: {  	v15 =	vld.idx.msk [tilespmem:v15+s15+$0x0], $0xffff;
	_ =	sdelay $0x4  }
0xa0: {  	v48 =	vor.u32 $0x10, v12;
	vm13 =	vlt.f32 v15, v46  }
0xa1: {  	v12 =	vsel vm13, v48, v12  }
0xa2: {  	v15 =	vor.u32 $0x7, v12;
	_ =	sdelay $0x4  }
0xa3: {  	v15 =	vld.idx.msk [tilespmem:v15+s15+$0x0], $0xffff;
	_ =	sdelay $0x4  }
0xa4: {  	v49 =	vor.u32 $0x8, v12;
	vm14 =	vlt.f32 v15, v46  }
0xa5: {  	v12 =	vsel vm14, v49, v12  }
0xa6: {  	v15 =	vadd.s32 $0x3, v12;
	_ =	sdelay $0x4  }
0xa7: {  	v15 =	vld.idx.msk [tilespmem:v15+s15+$0x0], $0xffff;
	_ =	sdelay $0x4  }
0xa8: {  	v50 =	vadd.s32 $0x4, v12;
	vm15 =	vlt.f32 v15, v46  }
0xa9: {  	v12 =	vsel vm15, v50, v12  }
0xaa: {  	v15 =	vadd.s32 $0x1, v12;
	_ =	sdelay $0x4  }
0xab: {  	v15 =	vld.idx.msk [tilespmem:v15+s15+$0x0], $0xffff;
	_ =	sdelay $0x4  }
0xac: {  	v51 =	vadd.s32 $0x2, v12;
	vm4 =	vlt.f32 v15, v46  }
0xad: {  	v12 =	vsel vm4, v51, v12;
	_ =	sdelay $0x4  }
0xae: {  	v15 =	vld.idx.msk [tilespmem:v12+s15+$0x0], $0xffff;
	_ =	sdelay $0x4  }
0xaf: {  	vm5 =	vlt.f32 v15, v46  }
0xb0: {  	v15 =	vsel vm5, $0x1, v1  }
0xb1: {  	v12 =	vadd.s32 v15, v12  }
0xb2: {  	v15 =	vmax.u32 v12, $0x1  }
0xb3: {  	v52 =	vld [tilespmem:s0+$0x40];
	v15 =	vmin.u32 v15, $0x80  }
0xb4: {  	v15 =	vadd.s32 $0xFFFFFFFF, v15;
	_ =	sdelay $0x3  }
0xb5: {  	vm6 =	vlt.f32 v2, v52  }
0xb6: {  	v18 =	vsel vm6, $0x40, v1;
	v17 =	vmin.u32 v12, $0x7F;
	v15 =	vld.idx.msk [tilespmem:v15+s17+$0x0], $0xffff  }
0xb7: {  	v19 =	vor.u32 $0x1F, v18;
	_ =	sdelay $0x3  }
0xb8: {  	v17 =	vld.idx.msk [tilespmem:v17+s15+$0x0], $0xffff;
	[tilespmem:s0+$0x1030] =	vst v15  }
0xb9: {  	v15 =	vld.idx.msk [tilespmem:v19+s15+$0x0], $0xffff;
	_ =	sdelay $0x4  }
0xba: {  	v53 =	vor.u32 $0x20, v18;
	vm7 =	vlt.f32 v15, v52  }
0xbb: {  	v15 =	vsel vm7, v53, v18  }
0xbc: {  	v18 =	vor.u32 $0xF, v15;
	_ =	sdelay $0x4  }
0xbd: {  	v18 =	vld.idx.msk [tilespmem:v18+s15+$0x0], $0xffff;
	_ =	sdelay $0x4  }
0xbe: {  	v54 =	vor.u32 $0x10, v15;
	vm8 =	vlt.f32 v18, v52  }
0xbf: {  	v15 =	vsel vm8, v54, v15  }
0xc0: {  	v18 =	vor.u32 $0x7, v15;
	_ =	sdelay $0x4  }
0xc1: {  	v18 =	vld.idx.msk [tilespmem:v18+s15+$0x0], $0xffff;
	_ =	sdelay $0x4  }
0xc2: {  	v55 =	vor.u32 $0x8, v15;
	vm9 =	vlt.f32 v18, v52  }
0xc3: {  	v15 =	vsel vm9, v55, v15  }
0xc4: {  	v18 =	vadd.s32 $0x3, v15;
	_ =	sdelay $0x4  }
0xc5: {  	v18 =	vld.idx.msk [tilespmem:v18+s15+$0x0], $0xffff;
	_ =	sdelay $0x4  }
0xc6: {  	v56 =	vadd.s32 $0x4, v15;
	vm10 =	vlt.f32 v18, v52  }
0xc7: {  	v15 =	vsel vm10, v56, v15  }
0xc8: {  	v18 =	vadd.s32 $0x1, v15;
	_ =	sdelay $0x4  }
0xc9: {  	v18 =	vld.idx.msk [tilespmem:v18+s15+$0x0], $0xffff;
	_ =	sdelay $0x4  }
0xca: {  	v57 =	vadd.s32 $0x2, v15;
	vm11 =	vlt.f32 v18, v52  }
0xcb: {  	v15 =	vsel vm11, v57, v15;
	_ =	sdelay $0x4  }
0xcc: {  	v18 =	vld.idx.msk [tilespmem:v15+s15+$0x0], $0xffff;
	_ =	sdelay $0x3  }
0xcd: {  	v6 =	vand.u32 $0xFFFFFF7F, v6  }
0xce: {  	vm1 =	veq.f32 v30, v4;
	vm12 =	veq.s32 v6, $0x0;
	vm2 =	vlt.f32 v18, v52  }
0xcf: {  	vm0 =	vmor vm1, vm12;
	vm13 =	vge.f32 v4, $0.0e+00;
	v58 =	vsel vm2, $0x1, v1  }
0xd0: {  	v4 =	vmin.f32 v3, v4;
	vm0 =	vmand vm13, vm0;
	v6 =	vadd.s32 v58, v15  }
0xd1: {  	v3 =	vsel vm0, v4, v3;
	v4 =	vand.u32 $0xFFFFFF7F, v9;
	v59 =	vmin.u32 v6, $0x7F  }
0xd2: {  	vm14 =	veq.s32 v4, $0x0;
	v4 =	vand.u32 $0xFFFFFF7F, v10;
	v60 =	vmax.u32 v6, $0x1  }
0xd3: {  	vm15 =	veq.f32 v11, v5;
	vm4 =	veq.s32 v4, $0x0;
	v4 =	vmin.u32 v60, $0x80  }
0xd4: {  	vm0 =	vmor vm15, vm14;
	vm5 =	vge.f32 v5, $0.0e+00;
	v4 =	vadd.s32 $0xFFFFFFFF, v4  }
0xd5: {  	v5 =	vmin.f32 v3, v5;
	vm0 =	vmand vm5, vm0  }
0xd6: {  	vm6 =	veq.f32 v14, v39;
	v3 =	vsel vm0, v5, v3;
	v5 =	vld.idx.msk [tilespmem:v59+s15+$0x0], $0xffff  }
0xd7: {  	vm12 =	vge.f32 v46, $0.0e+00;
	vm7 =	vmor vm6, vm4;
	vm8 =	vge.f32 v39, $0.0e+00  }
0xd8: {  	v62 =	vand.u32 $0xFFFFFF7F, v12;
	v61 =	vmin.f32 v3, v39;
	vm0 =	vmand vm8, vm7  }
0xd9: {  	p1 =	sne.s32 s31, $0x1E00;
	v3 =	vsel vm0, v61, v3;
	vm9 =	veq.s32 v62, $0x0;
	vm10 =	veq.f32 v17, v46;
	v4 =	vld.idx.msk [tilespmem:v4+s17+$0x0], $0xffff  }
.Ltmp2:
0xda: {  	v63 =	vmin.f32 v3, v46;
	vm0 =	vmor vm10, vm9;
	v6 =	vand.u32 $0xFFFFFF7F, v6;
	(pc) =	sbr.rel @p1 .LBB2_3-.Ltmp2, $4  }
0xdb: {  	vm0 =	vmand vm12, vm0;
	vm11 =	veq.s32 v6, $0x0;
	vm13 =	veq.f32 v5, v52  }
0xdc: {  	vm15 =	vge.f32 v52, $0.0e+00;
	v3 =	vsel vm0, v63, v3;
	vm14 =	vmor vm13, vm11  }
0xdd: {  	v5 =	vmin.f32 v3, v52;
	vm0 =	vmand vm15, vm14  }
0xde: {  	s31 =	sadd.s32 $0x140, s31;
	[tilespmem:s0+$0x1040] =	vst v4;
	v3 =	vsel vm0, v5, v3  }
0xdf: {  	s0 =	sshrl.u32 s30, $0x3  }
0xe0: {  	p1 =	seq.s32 s28, $0xF;
	s0 =	sadd.s32 s7, s0  }
0xe1: {  	[hbm4b:s0+s3] =	stream.linear.scatter [tilespmem:s20], [sflag:$0x3], $0x7D0, $0x38;
	[tilespmem:$0x2180] =	vst v63  }
0xe2: {  	s0 =	sadd.s32 @!p1 s29, s11  }
0xe3: {  	s0 =	sshrl.u32 @!p1 s0, $0x3  }
0xe4: {  	s30 =	simm.s32 @!p1 $0x0;
	s0 =	sadd.s32 @!p1 s5, s0  }
0xe5: {  	[tilespmem:s30], [sflag:$0x1] =	stream.linear.gather @!p1 [hbm4b:s0+s30], $0x7D0, $0x38;
	[tilespmem:$0x2180] =	vst v63  }
0xe6: {  	_ =	swait.ge [sflag:s21], $0x7D0  }
0xe7: {  	[sflag:s21] =	ssyncset.done $0x0  }
0xe8: {  	s0 =	simm.s32 @!p0 $0x4;
	[sflag:s21] =	ssyncadd.s32 $0xFFFFF830  }
0xe9: {  	_ =	swait.ge @!p0 [sflag:s0], $0x7D0  }
0xea: {  	[sflag:s0] =	ssyncset.done @!p0 $0x0  }
0xeb: {  	s31 =	simm.s32 $0x0;
	s30 =	sadd.s32 s29, s8;
	[sflag:s0] =	ssyncadd.s32 @!p0 $0xFFFFF830  }
.LBB2_5:
0xec: {  	s0 =	sshra.s32 s31, $0x2  }
0xed: {  	v4 =	vld [tilespmem:s0+$0x800];
	_ =	sdelay $0x4  }
0xee: {  	vm0 =	vlt.f32 v2, v4  }
0xef: {  	v5 =	vsel vm0, $0x40, v1  }
0xf0: {  	v6 =	vor.u32 $0x1F, v5;
	_ =	sdelay $0x4  }
0xf1: {  	v6 =	vld.idx.msk [tilespmem:v6+s15+$0x0], $0xffff;
	_ =	sdelay $0x4  }
0xf2: {  	v25 =	vor.u32 $0x20, v5;
	vm15 =	vlt.f32 v6, v4  }
0xf3: {  	v5 =	vsel vm15, v25, v5  }
0xf4: {  	v6 =	vor.u32 $0xF, v5;
	_ =	sdelay $0x4  }
0xf5: {  	v6 =	vld.idx.msk [tilespmem:v6+s15+$0x0], $0xffff;
	_ =	sdelay $0x4  }
0xf6: {  	v26 =	vor.u32 $0x10, v5;
	vm4 =	vlt.f32 v6, v4  }
0xf7: {  	v5 =	vsel vm4, v26, v5  }
0xf8: {  	v6 =	vor.u32 $0x7, v5;
	_ =	sdelay $0x4  }
0xf9: {  	v6 =	vld.idx.msk [tilespmem:v6+s15+$0x0], $0xffff;
	_ =	sdelay $0x4  }
0xfa: {  	v27 =	vor.u32 $0x8, v5;
	vm5 =	vlt.f32 v6, v4  }
0xfb: {  	v5 =	vsel vm5, v27, v5  }
0xfc: {  	v6 =	vadd.s32 $0x3, v5;
	_ =	sdelay $0x4  }
0xfd: {  	v6 =	vld.idx.msk [tilespmem:v6+s15+$0x0], $0xffff;
	_ =	sdelay $0x4  }
0xfe: {  	v28 =	vadd.s32 $0x4, v5;
	vm6 =	vlt.f32 v6, v4  }
0xff: {  	v5 =	vsel vm6, v28, v5  }
0x100: {  	v6 =	vadd.s32 $0x1, v5;
	_ =	sdelay $0x4  }
0x101: {  	v6 =	vld.idx.msk [tilespmem:v6+s15+$0x0], $0xffff;
	_ =	sdelay $0x4  }
0x102: {  	v29 =	vadd.s32 $0x2, v5;
	vm7 =	vlt.f32 v6, v4  }
0x103: {  	v5 =	vsel vm7, v29, v5;
	_ =	sdelay $0x4  }
0x104: {  	v6 =	vld.idx.msk [tilespmem:v5+s15+$0x0], $0xffff;
	_ =	sdelay $0x4  }
0x105: {  	vm8 =	vlt.f32 v6, v4  }
0x106: {  	v6 =	vsel vm8, $0x1, v1  }
0x107: {  	v6 =	vadd.s32 v6, v5  }
0x108: {  	v5 =	vmax.u32 v6, $0x1  }
0x109: {  	v7 =	vmin.u32 v5, $0x80;
	v5 =	vld [tilespmem:s0+$0x810]  }
0x10a: {  	v7 =	vadd.s32 $0xFFFFFFFF, v7;
	_ =	sdelay $0x3  }
0x10b: {  	vm9 =	vlt.f32 v2, v5  }
0x10c: {  	v8 =	vmin.u32 v6, $0x7F;
	v9 =	vld.idx.msk [tilespmem:v7+s17+$0x0], $0xffff;
	v10 =	vsel vm9, $0x40, v1  }
0x10d: {  	v11 =	vor.u32 $0x1F, v10;
	_ =	sdelay $0x3  }
0x10e: {  	v30 =	vld.idx.msk [tilespmem:v8+s15+$0x0], $0xffff;
	[tilespmem:s0+$0x1800] =	vst v9  }
0x10f: {  	v31 =	vld.idx.msk [tilespmem:v11+s15+$0x0], $0xffff;
	_ =	sdelay $0x4  }
0x110: {  	v32 =	vor.u32 $0x20, v10;
	vm10 =	vlt.f32 v31, v5  }
0x111: {  	v8 =	vsel vm10, v32, v10  }
0x112: {  	v33 =	vor.u32 $0xF, v8;
	_ =	sdelay $0x4  }
0x113: {  	v9 =	vld.idx.msk [tilespmem:v33+s15+$0x0], $0xffff;
	_ =	sdelay $0x4  }
0x114: {  	v34 =	vor.u32 $0x10, v8;
	vm11 =	vlt.f32 v9, v5  }
0x115: {  	v8 =	vsel vm11, v34, v8  }
0x116: {  	v9 =	vor.u32 $0x7, v8;
	_ =	sdelay $0x4  }
0x117: {  	v9 =	vld.idx.msk [tilespmem:v9+s15+$0x0], $0xffff;
	_ =	sdelay $0x4  }
0x118: {  	v35 =	vor.u32 $0x8, v8;
	vm12 =	vlt.f32 v9, v5  }
0x119: {  	v8 =	vsel vm12, v35, v8  }
0x11a: {  	v9 =	vadd.s32 $0x3, v8;
	_ =	sdelay $0x4  }
0x11b: {  	v9 =	vld.idx.msk [tilespmem:v9+s15+$0x0], $0xffff;
	_ =	sdelay $0x4  }
0x11c: {  	v36 =	vadd.s32 $0x4, v8;
	vm13 =	vlt.f32 v9, v5  }
0x11d: {  	v8 =	vsel vm13, v36, v8  }
0x11e: {  	v9 =	vadd.s32 $0x1, v8;
	_ =	sdelay $0x4  }
0x11f: {  	v9 =	vld.idx.msk [tilespmem:v9+s15+$0x0], $0xffff;
	_ =	sdelay $0x4  }
0x120: {  	v37 =	vadd.s32 $0x2, v8;
	vm14 =	vlt.f32 v9, v5  }
0x121: {  	v8 =	vsel vm14, v37, v8;
	_ =	sdelay $0x4  }
0x122: {  	v9 =	vld.idx.msk [tilespmem:v8+s15+$0x0], $0xffff;
	_ =	sdelay $0x4  }
0x123: {  	vm15 =	vlt.f32 v9, v5  }
0x124: {  	v9 =	vsel vm15, $0x1, v1  }
0x125: {  	v9 =	vadd.s32 v9, v8  }
0x126: {  	v8 =	vmax.u32 v9, $0x1  }
0x127: {  	v39 =	vld [tilespmem:s0+$0x820];
	v38 =	vmin.u32 v8, $0x80  }
0x128: {  	v10 =	vadd.s32 $0xFFFFFFFF, v38;
	_ =	sdelay $0x3  }
0x129: {  	vm4 =	vlt.f32 v2, v39  }
0x12a: {  	v12 =	vsel vm4, $0x40, v1;
	v40 =	vmin.u32 v9, $0x7F;
	v10 =	vld.idx.msk [tilespmem:v10+s17+$0x0], $0xffff  }
0x12b: {  	v13 =	vor.u32 $0x1F, v12;
	_ =	sdelay $0x3  }
0x12c: {  	v11 =	vld.idx.msk [tilespmem:v40+s15+$0x0], $0xffff;
	[tilespmem:s0+$0x1810] =	vst v10  }
0x12d: {  	v10 =	vld.idx.msk [tilespmem:v13+s15+$0x0], $0xffff;
	_ =	sdelay $0x4  }
0x12e: {  	v41 =	vor.u32 $0x20, v12;
	vm5 =	vlt.f32 v10, v39  }
0x12f: {  	v10 =	vsel vm5, v41, v12  }
0x130: {  	v12 =	vor.u32 $0xF, v10;
	_ =	sdelay $0x4  }
0x131: {  	v12 =	vld.idx.msk [tilespmem:v12+s15+$0x0], $0xffff;
	_ =	sdelay $0x4  }
0x132: {  	v42 =	vor.u32 $0x10, v10;
	vm6 =	vlt.f32 v12, v39  }
0x133: {  	v10 =	vsel vm6, v42, v10  }
0x134: {  	v12 =	vor.u32 $0x7, v10;
	_ =	sdelay $0x4  }
0x135: {  	v12 =	vld.idx.msk [tilespmem:v12+s15+$0x0], $0xffff;
	_ =	sdelay $0x4  }
0x136: {  	v43 =	vor.u32 $0x8, v10;
	vm7 =	vlt.f32 v12, v39  }
0x137: {  	v10 =	vsel vm7, v43, v10  }
0x138: {  	v12 =	vadd.s32 $0x3, v10;
	_ =	sdelay $0x4  }
0x139: {  	v12 =	vld.idx.msk [tilespmem:v12+s15+$0x0], $0xffff;
	_ =	sdelay $0x4  }
0x13a: {  	v44 =	vadd.s32 $0x4, v10;
	vm8 =	vlt.f32 v12, v39  }
0x13b: {  	v10 =	vsel vm8, v44, v10  }
0x13c: {  	v12 =	vadd.s32 $0x1, v10;
	_ =	sdelay $0x4  }
0x13d: {  	v12 =	vld.idx.msk [tilespmem:v12+s15+$0x0], $0xffff;
	_ =	sdelay $0x4  }
0x13e: {  	v45 =	vadd.s32 $0x2, v10;
	vm9 =	vlt.f32 v12, v39  }
0x13f: {  	v10 =	vsel vm9, v45, v10;
	_ =	sdelay $0x4  }
0x140: {  	v12 =	vld.idx.msk [tilespmem:v10+s15+$0x0], $0xffff;
	_ =	sdelay $0x4  }
0x141: {  	vm10 =	vlt.f32 v12, v39  }
0x142: {  	v12 =	vsel vm10, $0x1, v1  }
0x143: {  	v10 =	vadd.s32 v12, v10  }
0x144: {  	v12 =	vmax.u32 v10, $0x1  }
0x145: {  	v46 =	vld [tilespmem:s0+$0x830];
	v12 =	vmin.u32 v12, $0x80  }
0x146: {  	v12 =	vadd.s32 $0xFFFFFFFF, v12;
	_ =	sdelay $0x3  }
0x147: {  	vm11 =	vlt.f32 v2, v46  }
0x148: {  	v15 =	vsel vm11, $0x40, v1;
	v14 =	vmin.u32 v10, $0x7F;
	v12 =	vld.idx.msk [tilespmem:v12+s17+$0x0], $0xffff  }
0x149: {  	v16 =	vor.u32 $0x1F, v15;
	_ =	sdelay $0x3  }
0x14a: {  	v14 =	vld.idx.msk [tilespmem:v14+s15+$0x0], $0xffff;
	[tilespmem:s0+$0x1820] =	vst v12  }
0x14b: {  	v12 =	vld.idx.msk [tilespmem:v16+s15+$0x0], $0xffff;
	_ =	sdelay $0x4  }
0x14c: {  	v47 =	vor.u32 $0x20, v15;
	vm12 =	vlt.f32 v12, v46  }
0x14d: {  	v12 =	vsel vm12, v47, v15  }
0x14e: {  	v15 =	vor.u32 $0xF, v12;
	_ =	sdelay $0x4  }
0x14f: {  	v15 =	vld.idx.msk [tilespmem:v15+s15+$0x0], $0xffff;
	_ =	sdelay $0x4  }
0x150: {  	v48 =	vor.u32 $0x10, v12;
	vm13 =	vlt.f32 v15, v46  }
0x151: {  	v12 =	vsel vm13, v48, v12  }
0x152: {  	v15 =	vor.u32 $0x7, v12;
	_ =	sdelay $0x4  }
0x153: {  	v15 =	vld.idx.msk [tilespmem:v15+s15+$0x0], $0xffff;
	_ =	sdelay $0x4  }
0x154: {  	v49 =	vor.u32 $0x8, v12;
	vm14 =	vlt.f32 v15, v46  }
0x155: {  	v12 =	vsel vm14, v49, v12  }
0x156: {  	v15 =	vadd.s32 $0x3, v12;
	_ =	sdelay $0x4  }
0x157: {  	v15 =	vld.idx.msk [tilespmem:v15+s15+$0x0], $0xffff;
	_ =	sdelay $0x4  }
0x158: {  	v50 =	vadd.s32 $0x4, v12;
	vm15 =	vlt.f32 v15, v46  }
0x159: {  	v12 =	vsel vm15, v50, v12  }
0x15a: {  	v15 =	vadd.s32 $0x1, v12;
	_ =	sdelay $0x4  }
0x15b: {  	v15 =	vld.idx.msk [tilespmem:v15+s15+$0x0], $0xffff;
	_ =	sdelay $0x4  }
0x15c: {  	v51 =	vadd.s32 $0x2, v12;
	vm4 =	vlt.f32 v15, v46  }
0x15d: {  	v12 =	vsel vm4, v51, v12;
	_ =	sdelay $0x4  }
0x15e: {  	v15 =	vld.idx.msk [tilespmem:v12+s15+$0x0], $0xffff;
	_ =	sdelay $0x4  }
0x15f: {  	vm5 =	vlt.f32 v15, v46  }
0x160: {  	v15 =	vsel vm5, $0x1, v1  }
0x161: {  	v12 =	vadd.s32 v15, v12  }
0x162: {  	v15 =	vmax.u32 v12, $0x1  }
0x163: {  	v52 =	vld [tilespmem:s0+$0x840];
	v15 =	vmin.u32 v15, $0x80  }
0x164: {  	v15 =	vadd.s32 $0xFFFFFFFF, v15;
	_ =	sdelay $0x3  }
0x165: {  	vm6 =	vlt.f32 v2, v52  }
0x166: {  	v18 =	vsel vm6, $0x40, v1;
	v17 =	vmin.u32 v12, $0x7F;
	v15 =	vld.idx.msk [tilespmem:v15+s17+$0x0], $0xffff  }
0x167: {  	v19 =	vor.u32 $0x1F, v18;
	_ =	sdelay $0x3  }
0x168: {  	v17 =	vld.idx.msk [tilespmem:v17+s15+$0x0], $0xffff;
	[tilespmem:s0+$0x1830] =	vst v15  }
0x169: {  	v15 =	vld.idx.msk [tilespmem:v19+s15+$0x0], $0xffff;
	_ =	sdelay $0x4  }
0x16a: {  	v53 =	vor.u32 $0x20, v18;
	vm7 =	vlt.f32 v15, v52  }
0x16b: {  	v15 =	vsel vm7, v53, v18  }
0x16c: {  	v18 =	vor.u32 $0xF, v15;
	_ =	sdelay $0x4  }
0x16d: {  	v18 =	vld.idx.msk [tilespmem:v18+s15+$0x0], $0xffff;
	_ =	sdelay $0x4  }
0x16e: {  	v54 =	vor.u32 $0x10, v15;
	vm8 =	vlt.f32 v18, v52  }
0x16f: {  	v15 =	vsel vm8, v54, v15  }
0x170: {  	v18 =	vor.u32 $0x7, v15;
	_ =	sdelay $0x4  }
0x171: {  	v18 =	vld.idx.msk [tilespmem:v18+s15+$0x0], $0xffff;
	_ =	sdelay $0x4  }
0x172: {  	v55 =	vor.u32 $0x8, v15;
	vm9 =	vlt.f32 v18, v52  }
0x173: {  	v15 =	vsel vm9, v55, v15  }
0x174: {  	v18 =	vadd.s32 $0x3, v15;
	_ =	sdelay $0x4  }
0x175: {  	v18 =	vld.idx.msk [tilespmem:v18+s15+$0x0], $0xffff;
	_ =	sdelay $0x4  }
0x176: {  	v56 =	vadd.s32 $0x4, v15;
	vm10 =	vlt.f32 v18, v52  }
0x177: {  	v15 =	vsel vm10, v56, v15  }
0x178: {  	v18 =	vadd.s32 $0x1, v15;
	_ =	sdelay $0x4  }
0x179: {  	v18 =	vld.idx.msk [tilespmem:v18+s15+$0x0], $0xffff;
	_ =	sdelay $0x4  }
0x17a: {  	v57 =	vadd.s32 $0x2, v15;
	vm11 =	vlt.f32 v18, v52  }
0x17b: {  	v15 =	vsel vm11, v57, v15;
	_ =	sdelay $0x4  }
0x17c: {  	v18 =	vld.idx.msk [tilespmem:v15+s15+$0x0], $0xffff;
	_ =	sdelay $0x3  }
0x17d: {  	v6 =	vand.u32 $0xFFFFFF7F, v6  }
0x17e: {  	vm1 =	veq.f32 v30, v4;
	vm12 =	veq.s32 v6, $0x0;
	vm2 =	vlt.f32 v18, v52  }
0x17f: {  	vm0 =	vmor vm1, vm12;
	vm13 =	vge.f32 v4, $0.0e+00;
	v58 =	vsel vm2, $0x1, v1  }
0x180: {  	v4 =	vmin.f32 v3, v4;
	vm0 =	vmand vm13, vm0;
	v6 =	vadd.s32 v58, v15  }
0x181: {  	v3 =	vsel vm0, v4, v3;
	v4 =	vand.u32 $0xFFFFFF7F, v9;
	v59 =	vmin.u32 v6, $0x7F  }
0x182: {  	vm14 =	veq.s32 v4, $0x0;
	v4 =	vand.u32 $0xFFFFFF7F, v10;
	v60 =	vmax.u32 v6, $0x1  }
0x183: {  	vm15 =	veq.f32 v11, v5;
	vm4 =	veq.s32 v4, $0x0;
	v4 =	vmin.u32 v60, $0x80  }
0x184: {  	vm0 =	vmor vm15, vm14;
	vm5 =	vge.f32 v5, $0.0e+00;
	v4 =	vadd.s32 $0xFFFFFFFF, v4  }
0x185: {  	v5 =	vmin.f32 v3, v5;
	vm0 =	vmand vm5, vm0  }
0x186: {  	vm6 =	veq.f32 v14, v39;
	v3 =	vsel vm0, v5, v3;
	v5 =	vld.idx.msk [tilespmem:v59+s15+$0x0], $0xffff  }
0x187: {  	vm12 =	vge.f32 v46, $0.0e+00;
	vm7 =	vmor vm6, vm4;
	vm8 =	vge.f32 v39, $0.0e+00  }
0x188: {  	v62 =	vand.u32 $0xFFFFFF7F, v12;
	v61 =	vmin.f32 v3, v39;
	vm0 =	vmand vm8, vm7  }
0x189: {  	p0 =	sne.s32 s31, $0x1E00;
	v3 =	vsel vm0, v61, v3;
	vm9 =	veq.s32 v62, $0x0;
	vm10 =	veq.f32 v17, v46;
	v4 =	vld.idx.msk [tilespmem:v4+s17+$0x0], $0xffff  }
.Ltmp3:
0x18a: {  	v63 =	vmin.f32 v3, v46;
	vm0 =	vmor vm10, vm9;
	v6 =	vand.u32 $0xFFFFFF7F, v6;
	(pc) =	sbr.rel @p0 .LBB2_5-.Ltmp3, $4  }
0x18b: {  	vm0 =	vmand vm12, vm0;
	vm11 =	veq.s32 v6, $0x0;
	vm13 =	veq.f32 v5, v52  }
0x18c: {  	vm15 =	vge.f32 v52, $0.0e+00;
	v3 =	vsel vm0, v63, v3;
	vm14 =	vmor vm13, vm11  }
0x18d: {  	v5 =	vmin.f32 v3, v52;
	vm0 =	vmand vm15, vm14  }
0x18e: {  	s31 =	sadd.s32 $0x140, s31;
	[tilespmem:s0+$0x1840] =	vst v4;
	v3 =	vsel vm0, v5, v3  }
.Ltmp4:
0x18f: {  	(pc) =	sbr.rel @p1 .LBB2_8-.Ltmp4, $4  }
0x190: {  	_ = 	snop  }
0x191: {  	s0 =	sshrl.u32 s30, $0x3  }
0x192: {  	s0 =	sadd.s32 s7, s0  }
0x193: {  	[hbm4b:s0+s3] =	stream.linear.scatter [tilespmem:s22], [sflag:$0x4], $0x7D0, $0x38;
	[tilespmem:$0x2180] =	vst v63  }
.Ltmp5:
0x194: {  	(pc) =	sbr.rel .LBB2_2-.Ltmp5, $4  }
0x195: {  	s0 =	sadd.s32 s29, s12  }
0x196: {  	s0 =	sshrl.u32 s0, $0x3  }
0x197: {  	s28 =	sadd.s32 $0x1, s28;
	s0 =	sadd.s32 s5, s0  }
0x198: {  	[tilespmem:s18], [sflag:$0x2] =	stream.linear.gather [hbm4b:s0+s3], $0x7D0, $0x38;
	[tilespmem:$0x2180] =	vst v63  }
.LBB2_9:
0x199: {  	_ =	sfence.sel $0x180000  }
0x19a: {  	[bflag:$0x0] =	sbarrier.arrive $0xFFFF  }
0x19b: {  	_ =	strace $0x90000047  }
0x19c: {  	[bflag:$0x2] =	sbarrier.arrive $0xFFFF  }
0x19d: {  	p0 =	sne.s32 s4, $0x0;
	s0 =	rddreg [dreg:$0x3]  }
0x19e: {  	s0 =	sadd.s32 @!p0 $0x100000, s0  }
0x19f: {  	[sflag:s0] =	ssyncadd.tile.s32 @!p0 $0x1;
	_ =	shalt  }
.Lfunc_end2:
_tile_overlayer_lowered:
.L_overlay_start_2:
0x1a0: {  	(tag) =	ssettag $0x2  }
0x1a1: {  	s0 =	rddreg [dreg:$0x0];
	s2 =	stileid.u32  }
0x1a2: {  	s1 =	rddreg [dreg:$0x1];
	p0 =	sne.s32 s2, $0x0  }
0x1a3: {  	s3 =	rddreg [dreg:$0x2];
	[bflag:$0x3] =	sbarrier.arrive $0xFFFF;
	s2 =	simm.s32 @!p0 $0x1C05  }
0x1a4: {  	[timem:s3], [sflag:s2] =	dma.local @!p0 [hbm:s0], s1  }
0x1a5: {  	s0 =	simm.s32 @!p0 $0x5  }
0x1a6: {  	_ =	swait.ge @!p0 [sflag:s0], s1  }
0x1a7: {  	s1 =	ssub.s32 @!p0 $0x0, s1;
	[sflag:s0] =	ssyncset.done @!p0 $0x0  }
0x1a8: {  	[sflag:s0] =	ssyncadd.s32 @!p0 s1  }
0x1a9: {  	[bflag:$0x3] =	sbarrier.arrive $0xFFFF  }
0x1aa: {  	_ =	shalt  }

</sc_bundles>
